<compile_context>
chip_gen: v7x
topology: tpu7x:2x2x1
jax: 0.10.2.dev20260603
libtpu: 0.0.44.dev20260713+nightly
codegen_flags: <defaults>
</compile_context>

<pallas_src>
import functools

import jax
import jax.numpy as jnp
import numpy as np
from jax import lax
from jax.experimental import pallas as pl
from jax.experimental.pallas import tpu as pltpu
from jax.experimental.pallas import tpu_sc as plsc

N_NODES = 10000
N_EDGES = 320000
D = 128
K_PATTERNS = 1024
BETA = 1.0
LAMBDA_GRAPH = 0.1
ALPHA = 0.5
LN_EPS = 1e-5

NC = 2
NS = 16
NW = NC * NS
N_PAD = 10240
CHUNK = 128
NCHUNK = 80
E_PAD = NW * NCHUNK * CHUNK
ROWS_PER_TILE = N_PAD // NS
DEG_W = 16


def _worker_id():
    return lax.axis_index("s") * NC + lax.axis_index("c")


def _deg_body(ei_hbm, deg_out, idx_v, deg_v):
    wid = _worker_id()
    n_per_w = N_EDGES // NW
    pltpu.sync_copy(ei_hbm.at[pl.ds(N_EDGES + wid * n_per_w, n_per_w)], idx_v)

    def zrow(i, carry):
        for k in range(CHUNK // 16):
            deg_v[i, pl.ds(k * 16, 16)] = jnp.zeros((16,), jnp.float32)
        return carry

    lax.fori_loop(0, N_PAD // CHUNK, zrow, 0)

    def hvec(j, carry):
        vec = idx_v[pl.ds(j * 16, 16)]
        cnt, last = plsc.scan_count(vec)
        hi = lax.shift_right_logical(vec, 7)
        lo = lax.bitwise_and(vec, 127)
        plsc.addupdate_scatter(deg_v, [hi, lo], cnt.astype(jnp.float32),
                               mask=last)
        return carry

    lax.fori_loop(0, n_per_w // 16, hvec, 0)
    pltpu.sync_copy(deg_v, deg_out.at[wid])


@functools.cache
def _deg_sc():
    return pl.kernel(
        _deg_body,
        mesh=plsc.VectorSubcoreMesh(core_axis_name="c", subcore_axis_name="s"),
        compiler_params=pltpu.CompilerParams(needs_layout_passes=False),
        out_type=jax.ShapeDtypeStruct((NW, N_PAD // CHUNK, CHUNK), jnp.float32),
        scratch_types=[
            pltpu.VMEM((N_EDGES // NW,), jnp.int32),
            pltpu.VMEM((N_PAD // CHUNK, CHUNK), jnp.float32),
        ],
    )


NCHUNK_H = NCHUNK // 2


def _agg_body(normx_hbm, row_hbm, col_hbm, zeros_hbm, agg_out, idxr_v, idxc_v,
              rows0, rows1, acc_sh, sg0, sg1, ss0, ss1):
    cid = lax.axis_index("c")
    sid = lax.axis_index("s")
    wid = _worker_id()
    rows = (rows0, rows1)
    sg = (sg0, sg1)
    ss = (ss0, ss1)
    pltpu.sync_copy(zeros_hbm, rows0)
    for c in range(ROWS_PER_TILE // CHUNK):
        pltpu.sync_copy(
            rows0, acc_sh.at[pl.ds(sid * ROWS_PER_TILE + c * CHUNK, CHUNK)])
    plsc.subcore_barrier()

    for h in range(2):
        pltpu.sync_copy(row_hbm.at[wid * 2 + h], idxr_v)
        pltpu.sync_copy(col_hbm.at[wid * 2 + h], idxc_v)
        pltpu.async_copy(normx_hbm.at[idxc_v.at[0]], rows0, sg0)
        pltpu.async_copy(normx_hbm.at[idxc_v.at[1]], rows1, sg1)

        def outer(i, carry):
            for b in range(2):
                j = i * 2 + b
                pltpu.make_async_copy(
                    normx_hbm.at[idxc_v.at[j]], rows[b], sg[b]).wait()
                pltpu.async_copy(
                    rows[b], acc_sh.at[idxr_v.at[j]], ss[b], add=True)
                pltpu.make_async_copy(
                    rows[b], acc_sh.at[idxr_v.at[j]], ss[b]).wait()
                nxt = j + 2

                @pl.when(nxt < NCHUNK_H)
                def _():
                    pltpu.async_copy(
                        normx_hbm.at[idxc_v.at[nxt]], rows[b], sg[b])
            return carry

        lax.fori_loop(0, NCHUNK_H // 2, outer, 0)
    plsc.subcore_barrier()
    base = cid * N_PAD + sid * ROWS_PER_TILE
    nd = ROWS_PER_TILE // CHUNK
    for c in range(nd):
        b = c % 2
        if c >= 2:
            pltpu.make_async_copy(
                rows[b], agg_out.at[pl.ds(base + (c - 2) * CHUNK, CHUNK)],
                sg[b]).wait()
        pltpu.sync_copy(
            acc_sh.at[pl.ds(sid * ROWS_PER_TILE + c * CHUNK, CHUNK)], rows[b])
        pltpu.async_copy(
            rows[b], agg_out.at[pl.ds(base + c * CHUNK, CHUNK)], sg[b])
    for c in (nd - 2, nd - 1):
        pltpu.make_async_copy(
            rows[c % 2], agg_out.at[pl.ds(base + c * CHUNK, CHUNK)],
            sg[c % 2]).wait()


@functools.cache
def _agg_sc():
    return pl.kernel(
        _agg_body,
        mesh=plsc.VectorSubcoreMesh(core_axis_name="c", subcore_axis_name="s"),
        cost_estimate=pl.CostEstimate(
            flops=0, transcendentals=0, bytes_accessed=360_000_000),
        out_type=jax.ShapeDtypeStruct((NC * N_PAD, D), jnp.float32),
        scratch_types=[
            pltpu.VMEM((NCHUNK_H, CHUNK), jnp.int32),
            pltpu.VMEM((NCHUNK_H, CHUNK), jnp.int32),
            pltpu.VMEM((CHUNK, D), jnp.float32),
            pltpu.VMEM((CHUNK, D), jnp.float32),
            pltpu.VMEM_SHARED((N_PAD, D), jnp.float32),
            pltpu.SemaphoreType.DMA,
            pltpu.SemaphoreType.DMA,
            pltpu.SemaphoreType.DMA,
            pltpu.SemaphoreType.DMA,
        ],
    )


def _pre_body(dp_ref, x_ref, normx_ref, dinv_ref):
    deg = jnp.sum(dp_ref[...], axis=0)
    dinv = jnp.where(deg > 0, lax.rsqrt(deg), 0.0)
    normx_ref[...] = dinv[:, None] * x_ref[...]
    dinv_ref[...] = dinv[:, None]


def _pre_tc(deg_parts, x_pad):
    blk = 1280
    grid = N_PAD // blk
    return pl.pallas_call(
        _pre_body,
        grid=(grid,),
        in_specs=[
            pl.BlockSpec((NW, blk), lambda i: (0, i)),
            pl.BlockSpec((blk, D), lambda i: (i, 0)),
        ],
        out_specs=[
            pl.BlockSpec((blk, D), lambda i: (i, 0)),
            pl.BlockSpec((blk, 1), lambda i: (i, 0)),
        ],
        out_shape=[
            jax.ShapeDtypeStruct((N_PAD, D), jnp.float32),
            jax.ShapeDtypeStruct((N_PAD, 1), jnp.float32),
        ],
    )(deg_parts, x_pad)


def _hop_body(x_ref, m_ref, out_ref):
    x = x_ref[...]
    m = m_ref[...]
    sim = BETA * lax.dot_general(x, m, (((1,), (1,)), ((), ())),
                                 preferred_element_type=jnp.float32)
    mx = jnp.max(sim, axis=1, keepdims=True)
    e = jnp.exp(sim - mx)
    attn = e / jnp.sum(e, axis=1, keepdims=True)
    out_ref[...] = lax.dot_general(attn, m, (((1,), (0,)), ((), ())),
                                   preferred_element_type=jnp.float32)


def _hop_tc(x, M):
    blk = 1000
    grid = N_NODES // blk
    return pl.pallas_call(
        _hop_body,
        grid=(grid,),
        compiler_params=pltpu.CompilerParams(skip_device_barrier=True),
        in_specs=[
            pl.BlockSpec((blk, D), lambda i: (i, 0)),
            pl.BlockSpec((K_PATTERNS, D), lambda i: (0, 0)),
        ],
        out_specs=pl.BlockSpec((blk, D), lambda i: (i, 0)),
        out_shape=jax.ShapeDtypeStruct((N_NODES, D), jnp.float32),
    )(x, M)


def _comb_body(x_ref, ret_ref, dinv_ref, op_ref, g_ref, b_ref, out_ref):
    x = x_ref[...]
    retrieved = ret_ref[...]
    dinv = dinv_ref[...]
    out_sum = op_ref[0] + op_ref[1]
    agg = dinv * out_sum
    lap = x - agg
    x_new = (1.0 - ALPHA) * x + ALPHA * (retrieved - 2.0 * LAMBDA_GRAPH * lap)
    mean = jnp.mean(x_new, axis=1, keepdims=True)
    var = jnp.mean((x_new - mean) ** 2, axis=1, keepdims=True)
    xn = (x_new - mean) * lax.rsqrt(var + LN_EPS)
    out_ref[...] = xn * g_ref[...] + b_ref[...]


def _comb_tc(x, retrieved, dinv, out_parts, gamma, beta):
    blk = 1000
    grid = N_NODES // blk
    return pl.pallas_call(
        _comb_body,
        grid=(grid,),
        in_specs=[
            pl.BlockSpec((blk, D), lambda i: (i, 0)),
            pl.BlockSpec((blk, D), lambda i: (i, 0)),
            pl.BlockSpec((blk, 1), lambda i: (i, 0)),
            pl.BlockSpec((NC, blk, D), lambda i: (0, i, 0)),
            pl.BlockSpec((1, D), lambda i: (0, 0)),
            pl.BlockSpec((1, D), lambda i: (0, 0)),
        ],
        out_specs=pl.BlockSpec((blk, D), lambda i: (i, 0)),
        out_shape=jax.ShapeDtypeStruct((N_NODES, D), jnp.float32),
    )(x, retrieved, dinv, out_parts, gamma, beta)


_PAD_IDX = (N_NODES + (np.arange(E_PAD - N_EDGES) % (N_PAD - N_NODES))
            ).astype(np.int32)


def kernel(x, edge_index, M, ln_gamma, ln_beta):
    x = x.astype(jnp.float32)
    edge_index = edge_index.astype(jnp.int32)
    row = edge_index[0]
    col = edge_index[1]
    pad_idx = jnp.asarray(_PAD_IDX)
    row_p = jnp.concatenate([row, pad_idx]).reshape(NW, NCHUNK, CHUNK)
    col_p = jnp.concatenate([col, pad_idx]).reshape(NW, NCHUNK, CHUNK)
    row_h = row_p.reshape(NW * 2, NCHUNK_H, CHUNK)
    col_h = col_p.reshape(NW * 2, NCHUNK_H, CHUNK)
    x_pad = jnp.pad(x, ((0, N_PAD - N_NODES), (0, 0)))

    zeros_agg = jnp.zeros((CHUNK, D), jnp.float32)

    deg_parts = _deg_sc()(edge_index.reshape(2 * N_EDGES)).reshape(NW, N_PAD)
    normx, dinv = _pre_tc(deg_parts, x_pad)
    out_parts = _agg_sc()(normx, row_h, col_h, zeros_agg).reshape(NC, N_PAD, D)
    retrieved = _hop_tc(x, M)
    return _comb_tc(x, retrieved, dinv[:N_NODES], out_parts,
                    ln_gamma.reshape(1, D), ln_beta.reshape(1, D))

# --- scband reference (transcript-rebuilt; emitter-appended) ---
"""Pipeline reference for scband-graph-hopfield-layer-41832981463305 (READ-ONLY COPY).

The authoritative reference and input builder live on the scoring server;
editing this copy changes nothing except your own understanding.
"""

import jax, jax.numpy as jnp
import numpy as np

N_NODES = 10000
N_EDGES = 320000
D = 128
K_PATTERNS = 1024
BETA = 1.0
LAMBDA_GRAPH = 0.1
ALPHA = 0.5
LN_EPS = 1e-5


def setup_inputs(seed: int = 0) -> dict:
    key = jax.random.key(seed)
    k1, k2, k3 = jax.random.split(key, 3)
    x = jax.random.normal(k1, (N_NODES, D), dtype=jnp.float32)
    edge_index = jax.random.randint(k2, (2, N_EDGES), 0, N_NODES, dtype=jnp.int64)
    # learned parameters
    M = jax.random.normal(k3, (K_PATTERNS, D), dtype=jnp.float32) * (1.0 / np.sqrt(D))
    ln_gamma = jnp.ones((D,), dtype=jnp.float32)
    ln_beta = jnp.zeros((D,), dtype=jnp.float32)
    return {"x": x, "edge_index": edge_index, "M": M, "ln_gamma": ln_gamma, "ln_beta": ln_beta}


def _layer_norm(x, gamma, beta):
    mean = jnp.mean(x, axis=-1, keepdims=True)
    var = jnp.mean((x - mean) ** 2, axis=-1, keepdims=True)
    xn = (x - mean) / jnp.sqrt(var + LN_EPS)
    return xn * gamma + beta


def reference(x, edge_index, M, ln_gamma, ln_beta):
    num_nodes = x.shape[0]
    row = edge_index[0]
    col = edge_index[1]
    # proj_in is Identity (in_dim == out_dim)
    # single iteration (num_iterations=1)
    # --- Hopfield retrieval: M^T softmax(beta * M x) ---
    sim = BETA * (x @ M.T)                      # [N, K]
    attn = jax.nn.softmax(sim, axis=-1)          # [N, K]
    retrieved = attn @ M                         # [N, D]
    # --- Normalized Laplacian term: L_sym x = x - D^{-1/2} A D^{-1/2} x ---
    deg = jnp.zeros((num_nodes,), dtype=x.dtype).at[col].add(1.0)
    deg_inv_sqrt = jnp.where(deg > 0, deg ** -0.5, 0.0)
    norm_x = deg_inv_sqrt[:, None] * x
    out = jnp.zeros_like(x).at[row].add(norm_x[col])
    agg = deg_inv_sqrt[:, None] * out
    laplacian_term = x - agg
    laplacian_coeff = 2.0 * LAMBDA_GRAPH
    # residual/damped update
    x_new = (1.0 - ALPHA) * x + ALPHA * (retrieved - laplacian_coeff * laplacian_term)
    # layer norm
    x_new = _layer_norm(x_new, ln_gamma, ln_beta)
    # dropout p=0 -> identity
    return x_new

if __name__ == "__main__":
    import jax
    _d = setup_inputs()
    print(jax.jit(kernel)(*tuple(_d.values())))

</pallas_src>

<mosaic_0001>
#map = affine_map<(d0, d1) -> (0)>
#map1 = affine_map<(d0, d1) -> (0, 0, 0)>
module attributes {stable_mosaic.version = 14 : i64} {
  func.func @_deg_body(%arg0: i32, %arg1: i32, %arg2: memref<640000xi32, #tpu.memory_space<hbm>>, %arg3: memref<32x80x128xf32, #tpu.memory_space<hbm>>, %arg4: memref<10000xi32, #tpu.memory_space<vmem>>, %arg5: memref<80x128xf32, #tpu.memory_space<vmem>>) attributes {dimension_semantics = [#tpu.dimension_semantics<core_parallel>, #tpu.dimension_semantics<subcore_parallel>], iteration_bounds = array<i64: 2, 16>, scalar_prefetch = 0 : i64, scratch_operands = 2 : i64, tpu.core_type = #tpu.core_type<sc_vector_subcore>, window_params = [{transform_indices = #map}, {transform_indices = #map1}]} {
    %mul3A = arith.constant 2 : i32
    %mul3A_0 = arith.muli %arg1, %mul3A : i32
    %add3A = arith.addi %mul3A_0, %arg0 : i32
    %mul3A_1 = arith.constant 10000 : i32
    %mul3A_2 = arith.muli %add3A, %mul3A_1 : i32
    %add3A_3 = arith.constant 320000 : i32
    %add3A_4 = arith.addi %add3A_3, %mul3A_2 : i32
    "tpu.region"() ({
      %run_scoped3A = tpu.sem_alloc : memref<!tpu.dma_semaphore, #tpu.memory_space<semaphore_mem>>
      %dma_start3A = tpu.memref_slice %arg2[%add3A_4] : memref<640000xi32, #tpu.memory_space<hbm>> -> memref<10000xi32, #tpu.memory_space<hbm>>
      %dma_start3A_16 = tpu.memref_slice %arg2[%add3A_4] : memref<640000xi32, #tpu.memory_space<hbm>> -> memref<10000xi32, #tpu.memory_space<hbm>>
      tpu.enqueue_dma source(%dma_start3A_16 : memref<10000xi32, #tpu.memory_space<hbm>>) target(%arg4 : memref<10000xi32, #tpu.memory_space<vmem>>) target_semaphore(%run_scoped3A : memref<!tpu.dma_semaphore, #tpu.memory_space<semaphore_mem>>)
      %dma_wait3A = tpu.memref_slice %arg2[%add3A_4] : memref<640000xi32, #tpu.memory_space<hbm>> -> memref<10000xi32, #tpu.memory_space<hbm>>
      %dma_wait3A_17 = tpu.memref_slice %arg2[%add3A_4] : memref<640000xi32, #tpu.memory_space<hbm>> -> memref<10000xi32, #tpu.memory_space<hbm>>
      tpu.wait_dma2 semaphore(%run_scoped3A : memref<!tpu.dma_semaphore, #tpu.memory_space<semaphore_mem>>) src(%dma_wait3A_17 : memref<10000xi32, #tpu.memory_space<hbm>>) dst(%arg4 : memref<10000xi32, #tpu.memory_space<vmem>>)
      tpu.yield
    }) : () -> ()
    %scan3A = arith.constant 0 : i32
    %scan3A_5 = arith.constant 0 : i32
    %scan3A_6 = arith.constant 80 : i32
    %scan3A_7 = arith.addi %scan3A_5, %scan3A_6 : i32
    %scan3A_8 = arith.constant 1 : i32
    scf.for %scan3A_16 = %scan3A_5 to %scan3A_7 step %scan3A_8  : i32 {
      %broadcast_in_dim3A = arith.constant 0.000000e+00 : f32
      %broadcast_in_dim3A_17 = vector.broadcast %broadcast_in_dim3A : f32 to vector<16xf32>
      %swap3A = arith.index_cast %scan3A_16 : i32 to index
      %swap3A_18 = arith.constant 0 : index
      %swap3A_19 = tpu.vector_load %arg5[%swap3A, %swap3A_18] {strides = array<i32>} : memref<80x128xf32, #tpu.memory_space<vmem>>, vector<16xf32>,
      tpu.vector_store %arg5[%swap3A, %swap3A_18], %broadcast_in_dim3A_17 {strides = array<i32>} : memref<80x128xf32, #tpu.memory_space<vmem>>, vector<16xf32>,
      %broadcast_in_dim3A_20 = arith.constant 0.000000e+00 : f32
      %broadcast_in_dim3A_21 = vector.broadcast %broadcast_in_dim3A_20 : f32 to vector<16xf32>
      %swap3A_22 = arith.index_cast %scan3A_16 : i32 to index
      %swap3A_23 = arith.constant 16 : index
      %swap3A_24 = tpu.vector_load %arg5[%swap3A_22, %swap3A_23] {strides = array<i32>} : memref<80x128xf32, #tpu.memory_space<vmem>>, vector<16xf32>,
      tpu.vector_store %arg5[%swap3A_22, %swap3A_23], %broadcast_in_dim3A_21 {strides = array<i32>} : memref<80x128xf32, #tpu.memory_space<vmem>>, vector<16xf32>,
      %broadcast_in_dim3A_25 = arith.constant 0.000000e+00 : f32
      %broadcast_in_dim3A_26 = vector.broadcast %broadcast_in_dim3A_25 : f32 to vector<16xf32>
      %swap3A_27 = arith.index_cast %scan3A_16 : i32 to index
      %swap3A_28 = arith.constant 32 : index
      %swap3A_29 = tpu.vector_load %arg5[%swap3A_27, %swap3A_28] {strides = array<i32>} : memref<80x128xf32, #tpu.memory_space<vmem>>, vector<16xf32>,
      tpu.vector_store %arg5[%swap3A_27, %swap3A_28], %broadcast_in_dim3A_26 {strides = array<i32>} : memref<80x128xf32, #tpu.memory_space<vmem>>, vector<16xf32>,
      %broadcast_in_dim3A_30 = arith.constant 0.000000e+00 : f32
      %broadcast_in_dim3A_31 = vector.broadcast %broadcast_in_dim3A_30 : f32 to vector<16xf32>
      %swap3A_32 = arith.index_cast %scan3A_16 : i32 to index
      %swap3A_33 = arith.constant 48 : index
      %swap3A_34 = tpu.vector_load %arg5[%swap3A_32, %swap3A_33] {strides = array<i32>} : memref<80x128xf32, #tpu.memory_space<vmem>>, vector<16xf32>,
      tpu.vector_store %arg5[%swap3A_32, %swap3A_33], %broadcast_in_dim3A_31 {strides = array<i32>} : memref<80x128xf32, #tpu.memory_space<vmem>>, vector<16xf32>,
      %broadcast_in_dim3A_35 = arith.constant 0.000000e+00 : f32
      %broadcast_in_dim3A_36 = vector.broadcast %broadcast_in_dim3A_35 : f32 to vector<16xf32>
      %swap3A_37 = arith.index_cast %scan3A_16 : i32 to index
      %swap3A_38 = arith.constant 64 : index
      %swap3A_39 = tpu.vector_load %arg5[%swap3A_37, %swap3A_38] {strides = array<i32>} : memref<80x128xf32, #tpu.memory_space<vmem>>, vector<16xf32>,
      tpu.vector_store %arg5[%swap3A_37, %swap3A_38], %broadcast_in_dim3A_36 {strides = array<i32>} : memref<80x128xf32, #tpu.memory_space<vmem>>, vector<16xf32>,
      %broadcast_in_dim3A_40 = arith.constant 0.000000e+00 : f32
      %broadcast_in_dim3A_41 = vector.broadcast %broadcast_in_dim3A_40 : f32 to vector<16xf32>
      %swap3A_42 = arith.index_cast %scan3A_16 : i32 to index
      %swap3A_43 = arith.constant 80 : index
      %swap3A_44 = tpu.vector_load %arg5[%swap3A_42, %swap3A_43] {strides = array<i32>} : memref<80x128xf32, #tpu.memory_space<vmem>>, vector<16xf32>,
      tpu.vector_store %arg5[%swap3A_42, %swap3A_43], %broadcast_in_dim3A_41 {strides = array<i32>} : memref<80x128xf32, #tpu.memory_space<vmem>>, vector<16xf32>,
      %broadcast_in_dim3A_45 = arith.constant 0.000000e+00 : f32
      %broadcast_in_dim3A_46 = vector.broadcast %broadcast_in_dim3A_45 : f32 to vector<16xf32>
      %swap3A_47 = arith.index_cast %scan3A_16 : i32 to index
      %swap3A_48 = arith.constant 96 : index
      %swap3A_49 = tpu.vector_load %arg5[%swap3A_47, %swap3A_48] {strides = array<i32>} : memref<80x128xf32, #tpu.memory_space<vmem>>, vector<16xf32>,
      tpu.vector_store %arg5[%swap3A_47, %swap3A_48], %broadcast_in_dim3A_46 {strides = array<i32>} : memref<80x128xf32, #tpu.memory_space<vmem>>, vector<16xf32>,
      %broadcast_in_dim3A_50 = arith.constant 0.000000e+00 : f32
      %broadcast_in_dim3A_51 = vector.broadcast %broadcast_in_dim3A_50 : f32 to vector<16xf32>
      %swap3A_52 = arith.index_cast %scan3A_16 : i32 to index
      %swap3A_53 = arith.constant 112 : index
      %swap3A_54 = tpu.vector_load %arg5[%swap3A_52, %swap3A_53] {strides = array<i32>} : memref<80x128xf32, #tpu.memory_space<vmem>>, vector<16xf32>,
      tpu.vector_store %arg5[%swap3A_52, %swap3A_53], %broadcast_in_dim3A_51 {strides = array<i32>} : memref<80x128xf32, #tpu.memory_space<vmem>>, vector<16xf32>,
    }
    %scan3A_9 = arith.constant 80 : i32
    %scan3A_10 = arith.constant 0 : i32
    %scan3A_11 = arith.constant 0 : i32
    %scan3A_12 = arith.constant 625 : i32
    %scan3A_13 = arith.addi %scan3A_11, %scan3A_12 : i32
    %scan3A_14 = arith.constant 1 : i32
    scf.for %scan3A_16 = %scan3A_11 to %scan3A_13 step %scan3A_14  : i32 {
      %mul3A_17 = arith.constant 16 : i32
      %mul3A_18 = arith.muli %scan3A_16, %mul3A_17 : i32
      %get3A = arith.index_cast %mul3A_18 : i32 to index
      %get3A_19 = tpu.vector_load %arg4[%get3A] {strides = array<i32>} : memref<10000xi32, #tpu.memory_space<vmem>>, vector<16xi32>,
      %broadcast_in_dim3A = arith.constant true
      %broadcast_in_dim3A_20 = vector.broadcast %broadcast_in_dim3A : i1 to vector<16xi1>
      %unique3A, %unique3A_21 = tpu.scan_count mask(%broadcast_in_dim3A_20 : vector<16xi1>) value(%get3A_19 : vector<16xi32>) : vector<16xi1>, vector<16xi32>
      %shift_right_logical3A = arith.constant 7 : i32
      %shift_right_logical3A_22 = vector.broadcast %shift_right_logical3A : i32 to vector<16xi32>
      %shift_right_logical3A_23 = arith.shrui %get3A_19, %shift_right_logical3A_22 : vector<16xi32>
      %and3A = arith.constant 127 : i32
      %and3A_24 = vector.broadcast %and3A : i32 to vector<16xi32>
      %and3A_25 = arith.andi %get3A_19, %and3A_24 : vector<16xi32>
      %convert_element_type3A = arith.sitofp %unique3A_21 : vector<16xi32> to vector<16xf32>
      tpu.vector_store_idx %arg5[%shift_right_logical3A_23, %and3A_25], %convert_element_type3A masked %unique3A {add = true} : memref<80x128xf32, #tpu.memory_space<vmem>>[vector<16xi32>, vector<16xi32>], vector<16xf32>, vector<16xi1>
    }
    %scan3A_15 = arith.constant 625 : i32
    "tpu.region"() ({
      %run_scoped3A = tpu.sem_alloc : memref<!tpu.dma_semaphore, #tpu.memory_space<semaphore_mem>>
      %dma_start3A = arith.constant 0 : i32
      %dma_start3A_16 = arith.constant 0 : i32
      %dma_start3A_17 = tpu.memref_slice %arg3[%add3A, %dma_start3A, %dma_start3A_16] : memref<32x80x128xf32, #tpu.memory_space<hbm>> -> memref<1x80x128xf32, #tpu.memory_space<hbm>>
      %dma_start3A_18 = tpu.memref_squeeze %dma_start3A_17 : memref<1x80x128xf32, #tpu.memory_space<hbm>> -> memref<80x128xf32, #tpu.memory_space<hbm>>
      %dma_start3A_19 = arith.constant 0 : i32
      %dma_start3A_20 = arith.constant 0 : i32
      %dma_start3A_21 = tpu.memref_slice %arg3[%add3A, %dma_start3A_19, %dma_start3A_20] : memref<32x80x128xf32, #tpu.memory_space<hbm>> -> memref<1x80x128xf32, #tpu.memory_space<hbm>>
      %dma_start3A_22 = tpu.memref_squeeze %dma_start3A_21 : memref<1x80x128xf32, #tpu.memory_space<hbm>> -> memref<80x128xf32, #tpu.memory_space<hbm>>
      tpu.enqueue_dma source(%arg5 : memref<80x128xf32, #tpu.memory_space<vmem>>) target(%dma_start3A_22 : memref<80x128xf32, #tpu.memory_space<hbm>>) target_semaphore(%run_scoped3A : memref<!tpu.dma_semaphore, #tpu.memory_space<semaphore_mem>>)
      %dma_wait3A = arith.constant 0 : i32
      %dma_wait3A_23 = arith.constant 0 : i32
      %dma_wait3A_24 = tpu.memref_slice %arg3[%add3A, %dma_wait3A, %dma_wait3A_23] : memref<32x80x128xf32, #tpu.memory_space<hbm>> -> memref<1x80x128xf32, #tpu.memory_space<hbm>>
      %dma_wait3A_25 = tpu.memref_squeeze %dma_wait3A_24 : memref<1x80x128xf32, #tpu.memory_space<hbm>> -> memref<80x128xf32, #tpu.memory_space<hbm>>
      %dma_wait3A_26 = arith.constant 0 : i32
      %dma_wait3A_27 = arith.constant 0 : i32
      %dma_wait3A_28 = tpu.memref_slice %arg3[%add3A, %dma_wait3A_26, %dma_wait3A_27] : memref<32x80x128xf32, #tpu.memory_space<hbm>> -> memref<1x80x128xf32, #tpu.memory_space<hbm>>
      %dma_wait3A_29 = tpu.memref_squeeze %dma_wait3A_28 : memref<1x80x128xf32, #tpu.memory_space<hbm>> -> memref<80x128xf32, #tpu.memory_space<hbm>>
      tpu.wait_dma2 semaphore(%run_scoped3A : memref<!tpu.dma_semaphore, #tpu.memory_space<semaphore_mem>>) src(%arg5 : memref<80x128xf32, #tpu.memory_space<vmem>>) dst(%dma_wait3A_29 : memref<80x128xf32, #tpu.memory_space<hbm>>)
      tpu.yield
    }) : () -> ()
    return
  }
}

#map = affine_map<(d0, d1) -> (0, 0)>
#map1 = affine_map<(d0, d1) -> (0, 0, 0)>
module attributes {stable_mosaic.version = 14 : i64} {
  func.func @_agg_body(%arg0: i32, %arg1: i32, %arg2: memref<10240x128xf32, #tpu.memory_space<hbm>>, %arg3: memref<64x40x128xi32, #tpu.memory_space<hbm>>, %arg4: memref<64x40x128xi32, #tpu.memory_space<hbm>>, %arg5: memref<128x128xf32, #tpu.memory_space<hbm>>, %arg6: memref<20480x128xf32, #tpu.memory_space<hbm>>, %arg7: memref<40x128xi32, #tpu.memory_space<vmem>>, %arg8: memref<40x128xi32, #tpu.memory_space<vmem>>, %arg9: memref<128x128xf32, #tpu.memory_space<vmem>>, %arg10: memref<128x128xf32, #tpu.memory_space<vmem>>, %arg11: memref<10240x128xf32, #tpu.memory_space<vmem_shared>>, %arg12: memref<!tpu.dma_semaphore, #tpu.memory_space<semaphore_mem>>, %arg13: memref<!tpu.dma_semaphore, #tpu.memory_space<semaphore_mem>>, %arg14: memref<!tpu.dma_semaphore, #tpu.memory_space<semaphore_mem>>, %arg15: memref<!tpu.dma_semaphore, #tpu.memory_space<semaphore_mem>>) attributes {dimension_semantics = [#tpu.dimension_semantics<core_parallel>, #tpu.dimension_semantics<subcore_parallel>], iteration_bounds = array<i64: 2, 16>, scalar_prefetch = 0 : i64, scratch_operands = 9 : i64, tpu.core_type = #tpu.core_type<sc_vector_subcore>, window_params = [{transform_indices = #map}, {transform_indices = #map1}, {transform_indices = #map1}, {transform_indices = #map}, {transform_indices = #map}]} {
    %mul3A = arith.constant 2 : i32
    %mul3A_0 = arith.muli %arg1, %mul3A : i32
    %add3A = arith.addi %mul3A_0, %arg0 : i32
    "tpu.region"() ({
      %run_scoped3A = tpu.sem_alloc : memref<!tpu.dma_semaphore, #tpu.memory_space<semaphore_mem>>
      tpu.enqueue_dma source(%arg5 : memref<128x128xf32, #tpu.memory_space<hbm>>) target(%arg9 : memref<128x128xf32, #tpu.memory_space<vmem>>) target_semaphore(%run_scoped3A : memref<!tpu.dma_semaphore, #tpu.memory_space<semaphore_mem>>)
      tpu.wait_dma2 semaphore(%run_scoped3A : memref<!tpu.dma_semaphore, #tpu.memory_space<semaphore_mem>>) src(%arg5 : memref<128x128xf32, #tpu.memory_space<hbm>>) dst(%arg9 : memref<128x128xf32, #tpu.memory_space<vmem>>)
      tpu.yield
    }) : () -> ()
    %mul3A_1 = arith.constant 640 : i32
    %mul3A_2 = arith.muli %arg1, %mul3A_1 : i32
    %add3A_3 = arith.constant 0 : i32
    %add3A_4 = arith.addi %mul3A_2, %add3A_3 : i32
    "tpu.region"() ({
      %run_scoped3A = tpu.sem_alloc : memref<!tpu.dma_semaphore, #tpu.memory_space<semaphore_mem>>
      %dma_start3A_160 = arith.constant 0 : i32
      %dma_start3A_161 = tpu.memref_slice %arg11[%add3A_4, %dma_start3A_160] : memref<10240x128xf32, #tpu.memory_space<vmem_shared>> -> memref<128x128xf32, #tpu.memory_space<vmem_shared>>
      %dma_start3A_162 = arith.constant 0 : i32
      %dma_start3A_163 = tpu.memref_slice %arg11[%add3A_4, %dma_start3A_162] : memref<10240x128xf32, #tpu.memory_space<vmem_shared>> -> memref<128x128xf32, #tpu.memory_space<vmem_shared>>
      tpu.enqueue_dma source(%arg9 : memref<128x128xf32, #tpu.memory_space<vmem>>) target(%dma_start3A_163 : memref<128x128xf32, #tpu.memory_space<vmem_shared>>) target_semaphore(%run_scoped3A : memref<!tpu.dma_semaphore, #tpu.memory_space<semaphore_mem>>)
      %dma_wait3A_164 = arith.constant 0 : i32
      %dma_wait3A_165 = tpu.memref_slice %arg11[%add3A_4, %dma_wait3A_164] : memref<10240x128xf32, #tpu.memory_space<vmem_shared>> -> memref<128x128xf32, #tpu.memory_space<vmem_shared>>
      %dma_wait3A_166 = arith.constant 0 : i32
      %dma_wait3A_167 = tpu.memref_slice %arg11[%add3A_4, %dma_wait3A_166] : memref<10240x128xf32, #tpu.memory_space<vmem_shared>> -> memref<128x128xf32, #tpu.memory_space<vmem_shared>>
      tpu.wait_dma2 semaphore(%run_scoped3A : memref<!tpu.dma_semaphore, #tpu.memory_space<semaphore_mem>>) src(%arg9 : memref<128x128xf32, #tpu.memory_space<vmem>>) dst(%dma_wait3A_167 : memref<128x128xf32, #tpu.memory_space<vmem_shared>>)
      tpu.yield
    }) : () -> ()
    %mul3A_5 = arith.constant 640 : i32
    %mul3A_6 = arith.muli %arg1, %mul3A_5 : i32
    %add3A_7 = arith.constant 128 : i32
    %add3A_8 = arith.addi %mul3A_6, %add3A_7 : i32
    "tpu.region"() ({
      %run_scoped3A = tpu.sem_alloc : memref<!tpu.dma_semaphore, #tpu.memory_space<semaphore_mem>>
      %dma_start3A_160 = arith.constant 0 : i32
      %dma_start3A_161 = tpu.memref_slice %arg11[%add3A_8, %dma_start3A_160] : memref<10240x128xf32, #tpu.memory_space<vmem_shared>> -> memref<128x128xf32, #tpu.memory_space<vmem_shared>>
      %dma_start3A_162 = arith.constant 0 : i32
      %dma_start3A_163 = tpu.memref_slice %arg11[%add3A_8, %dma_start3A_162] : memref<10240x128xf32, #tpu.memory_space<vmem_shared>> -> memref<128x128xf32, #tpu.memory_space<vmem_shared>>
      tpu.enqueue_dma source(%arg9 : memref<128x128xf32, #tpu.memory_space<vmem>>) target(%dma_start3A_163 : memref<128x128xf32, #tpu.memory_space<vmem_shared>>) target_semaphore(%run_scoped3A : memref<!tpu.dma_semaphore, #tpu.memory_space<semaphore_mem>>)
      %dma_wait3A_164 = arith.constant 0 : i32
      %dma_wait3A_165 = tpu.memref_slice %arg11[%add3A_8, %dma_wait3A_164] : memref<10240x128xf32, #tpu.memory_space<vmem_shared>> -> memref<128x128xf32, #tpu.memory_space<vmem_shared>>
      %dma_wait3A_166 = arith.constant 0 : i32
      %dma_wait3A_167 = tpu.memref_slice %arg11[%add3A_8, %dma_wait3A_166] : memref<10240x128xf32, #tpu.memory_space<vmem_shared>> -> memref<128x128xf32, #tpu.memory_space<vmem_shared>>
      tpu.wait_dma2 semaphore(%run_scoped3A : memref<!tpu.dma_semaphore, #tpu.memory_space<semaphore_mem>>) src(%arg9 : memref<128x128xf32, #tpu.memory_space<vmem>>) dst(%dma_wait3A_167 : memref<128x128xf32, #tpu.memory_space<vmem_shared>>)
      tpu.yield
    }) : () -> ()
    %mul3A_9 = arith.constant 640 : i32
    %mul3A_10 = arith.muli %arg1, %mul3A_9 : i32
    %add3A_11 = arith.constant 256 : i32
    %add3A_12 = arith.addi %mul3A_10, %add3A_11 : i32
    "tpu.region"() ({
      %run_scoped3A = tpu.sem_alloc : memref<!tpu.dma_semaphore, #tpu.memory_space<semaphore_mem>>
      %dma_start3A_160 = arith.constant 0 : i32
      %dma_start3A_161 = tpu.memref_slice %arg11[%add3A_12, %dma_start3A_160] : memref<10240x128xf32, #tpu.memory_space<vmem_shared>> -> memref<128x128xf32, #tpu.memory_space<vmem_shared>>
      %dma_start3A_162 = arith.constant 0 : i32
      %dma_start3A_163 = tpu.memref_slice %arg11[%add3A_12, %dma_start3A_162] : memref<10240x128xf32, #tpu.memory_space<vmem_shared>> -> memref<128x128xf32, #tpu.memory_space<vmem_shared>>
      tpu.enqueue_dma source(%arg9 : memref<128x128xf32, #tpu.memory_space<vmem>>) target(%dma_start3A_163 : memref<128x128xf32, #tpu.memory_space<vmem_shared>>) target_semaphore(%run_scoped3A : memref<!tpu.dma_semaphore, #tpu.memory_space<semaphore_mem>>)
      %dma_wait3A_164 = arith.constant 0 : i32
      %dma_wait3A_165 = tpu.memref_slice %arg11[%add3A_12, %dma_wait3A_164] : memref<10240x128xf32, #tpu.memory_space<vmem_shared>> -> memref<128x128xf32, #tpu.memory_space<vmem_shared>>
      %dma_wait3A_166 = arith.constant 0 : i32
      %dma_wait3A_167 = tpu.memref_slice %arg11[%add3A_12, %dma_wait3A_166] : memref<10240x128xf32, #tpu.memory_space<vmem_shared>> -> memref<128x128xf32, #tpu.memory_space<vmem_shared>>
      tpu.wait_dma2 semaphore(%run_scoped3A : memref<!tpu.dma_semaphore, #tpu.memory_space<semaphore_mem>>) src(%arg9 : memref<128x128xf32, #tpu.memory_space<vmem>>) dst(%dma_wait3A_167 : memref<128x128xf32, #tpu.memory_space<vmem_shared>>)
      tpu.yield
    }) : () -> ()
    %mul3A_13 = arith.constant 640 : i32
    %mul3A_14 = arith.muli %arg1, %mul3A_13 : i32
    %add3A_15 = arith.constant 384 : i32
    %add3A_16 = arith.addi %mul3A_14, %add3A_15 : i32
    "tpu.region"() ({
      %run_scoped3A = tpu.sem_alloc : memref<!tpu.dma_semaphore, #tpu.memory_space<semaphore_mem>>
      %dma_start3A_160 = arith.constant 0 : i32
      %dma_start3A_161 = tpu.memref_slice %arg11[%add3A_16, %dma_start3A_160] : memref<10240x128xf32, #tpu.memory_space<vmem_shared>> -> memref<128x128xf32, #tpu.memory_space<vmem_shared>>
      %dma_start3A_162 = arith.constant 0 : i32
      %dma_start3A_163 = tpu.memref_slice %arg11[%add3A_16, %dma_start3A_162] : memref<10240x128xf32, #tpu.memory_space<vmem_shared>> -> memref<128x128xf32, #tpu.memory_space<vmem_shared>>
      tpu.enqueue_dma source(%arg9 : memref<128x128xf32, #tpu.memory_space<vmem>>) target(%dma_start3A_163 : memref<128x128xf32, #tpu.memory_space<vmem_shared>>) target_semaphore(%run_scoped3A : memref<!tpu.dma_semaphore, #tpu.memory_space<semaphore_mem>>)
      %dma_wait3A_164 = arith.constant 0 : i32
      %dma_wait3A_165 = tpu.memref_slice %arg11[%add3A_16, %dma_wait3A_164] : memref<10240x128xf32, #tpu.memory_space<vmem_shared>> -> memref<128x128xf32, #tpu.memory_space<vmem_shared>>
      %dma_wait3A_166 = arith.constant 0 : i32
      %dma_wait3A_167 = tpu.memref_slice %arg11[%add3A_16, %dma_wait3A_166] : memref<10240x128xf32, #tpu.memory_space<vmem_shared>> -> memref<128x128xf32, #tpu.memory_space<vmem_shared>>
      tpu.wait_dma2 semaphore(%run_scoped3A : memref<!tpu.dma_semaphore, #tpu.memory_space<semaphore_mem>>) src(%arg9 : memref<128x128xf32, #tpu.memory_space<vmem>>) dst(%dma_wait3A_167 : memref<128x128xf32, #tpu.memory_space<vmem_shared>>)
      tpu.yield
    }) : () -> ()
    %mul3A_17 = arith.constant 640 : i32
    %mul3A_18 = arith.muli %arg1, %mul3A_17 : i32
    %add3A_19 = arith.constant 512 : i32
    %add3A_20 = arith.addi %mul3A_18, %add3A_19 : i32
    "tpu.region"() ({
      %run_scoped3A = tpu.sem_alloc : memref<!tpu.dma_semaphore, #tpu.memory_space<semaphore_mem>>
      %dma_start3A_160 = arith.constant 0 : i32
      %dma_start3A_161 = tpu.memref_slice %arg11[%add3A_20, %dma_start3A_160] : memref<10240x128xf32, #tpu.memory_space<vmem_shared>> -> memref<128x128xf32, #tpu.memory_space<vmem_shared>>
      %dma_start3A_162 = arith.constant 0 : i32
      %dma_start3A_163 = tpu.memref_slice %arg11[%add3A_20, %dma_start3A_162] : memref<10240x128xf32, #tpu.memory_space<vmem_shared>> -> memref<128x128xf32, #tpu.memory_space<vmem_shared>>
      tpu.enqueue_dma source(%arg9 : memref<128x128xf32, #tpu.memory_space<vmem>>) target(%dma_start3A_163 : memref<128x128xf32, #tpu.memory_space<vmem_shared>>) target_semaphore(%run_scoped3A : memref<!tpu.dma_semaphore, #tpu.memory_space<semaphore_mem>>)
      %dma_wait3A_164 = arith.constant 0 : i32
      %dma_wait3A_165 = tpu.memref_slice %arg11[%add3A_20, %dma_wait3A_164] : memref<10240x128xf32, #tpu.memory_space<vmem_shared>> -> memref<128x128xf32, #tpu.memory_space<vmem_shared>>
      %dma_wait3A_166 = arith.constant 0 : i32
      %dma_wait3A_167 = tpu.memref_slice %arg11[%add3A_20, %dma_wait3A_166] : memref<10240x128xf32, #tpu.memory_space<vmem_shared>> -> memref<128x128xf32, #tpu.memory_space<vmem_shared>>
      tpu.wait_dma2 semaphore(%run_scoped3A : memref<!tpu.dma_semaphore, #tpu.memory_space<semaphore_mem>>) src(%arg9 : memref<128x128xf32, #tpu.memory_space<vmem>>) dst(%dma_wait3A_167 : memref<128x128xf32, #tpu.memory_space<vmem_shared>>)
      tpu.yield
    }) : () -> ()
    %barrier3A = arith.constant 0 : index
    tpu.barrier barrier_id(%barrier3A)
    %mul3A_21 = arith.constant 2 : i32
    %mul3A_22 = arith.muli %add3A, %mul3A_21 : i32
    %add3A_23 = arith.constant 0 : i32
    %add3A_24 = arith.addi %mul3A_22, %add3A_23 : i32
    "tpu.region"() ({
      %run_scoped3A = tpu.sem_alloc : memref<!tpu.dma_semaphore, #tpu.memory_space<semaphore_mem>>
      %dma_start3A_160 = arith.constant 0 : i32
      %dma_start3A_161 = arith.constant 0 : i32
      %dma_start3A_162 = tpu.memref_slice %arg3[%add3A_24, %dma_start3A_160, %dma_start3A_161] : memref<64x40x128xi32, #tpu.memory_space<hbm>> -> memref<1x40x128xi32, #tpu.memory_space<hbm>>
      %dma_start3A_163 = tpu.memref_squeeze %dma_start3A_162 : memref<1x40x128xi32, #tpu.memory_space<hbm>> -> memref<40x128xi32, #tpu.memory_space<hbm>>
      %dma_start3A_164 = arith.constant 0 : i32
      %dma_start3A_165 = arith.constant 0 : i32
      %dma_start3A_166 = tpu.memref_slice %arg3[%add3A_24, %dma_start3A_164, %dma_start3A_165] : memref<64x40x128xi32, #tpu.memory_space<hbm>> -> memref<1x40x128xi32, #tpu.memory_space<hbm>>
      %dma_start3A_167 = tpu.memref_squeeze %dma_start3A_166 : memref<1x40x128xi32, #tpu.memory_space<hbm>> -> memref<40x128xi32, #tpu.memory_space<hbm>>
      tpu.enqueue_dma source(%dma_start3A_167 : memref<40x128xi32, #tpu.memory_space<hbm>>) target(%arg7 : memref<40x128xi32, #tpu.memory_space<vmem>>) target_semaphore(%run_scoped3A : memref<!tpu.dma_semaphore, #tpu.memory_space<semaphore_mem>>)
      %dma_wait3A_168 = arith.constant 0 : i32
      %dma_wait3A_169 = arith.constant 0 : i32
      %dma_wait3A_170 = tpu.memref_slice %arg3[%add3A_24, %dma_wait3A_168, %dma_wait3A_169] : memref<64x40x128xi32, #tpu.memory_space<hbm>> -> memref<1x40x128xi32, #tpu.memory_space<hbm>>
      %dma_wait3A_171 = tpu.memref_squeeze %dma_wait3A_170 : memref<1x40x128xi32, #tpu.memory_space<hbm>> -> memref<40x128xi32, #tpu.memory_space<hbm>>
      %dma_wait3A_172 = arith.constant 0 : i32
      %dma_wait3A_173 = arith.constant 0 : i32
      %dma_wait3A_174 = tpu.memref_slice %arg3[%add3A_24, %dma_wait3A_172, %dma_wait3A_173] : memref<64x40x128xi32, #tpu.memory_space<hbm>> -> memref<1x40x128xi32, #tpu.memory_space<hbm>>
      %dma_wait3A_175 = tpu.memref_squeeze %dma_wait3A_174 : memref<1x40x128xi32, #tpu.memory_space<hbm>> -> memref<40x128xi32, #tpu.memory_space<hbm>>
      tpu.wait_dma2 semaphore(%run_scoped3A : memref<!tpu.dma_semaphore, #tpu.memory_space<semaphore_mem>>) src(%dma_wait3A_175 : memref<40x128xi32, #tpu.memory_space<hbm>>) dst(%arg7 : memref<40x128xi32, #tpu.memory_space<vmem>>)
      tpu.yield
    }) : () -> ()
    %mul3A_25 = arith.constant 2 : i32
    %mul3A_26 = arith.muli %add3A, %mul3A_25 : i32
    %add3A_27 = arith.constant 0 : i32
    %add3A_28 = arith.addi %mul3A_26, %add3A_27 : i32
    "tpu.region"() ({
      %run_scoped3A = tpu.sem_alloc : memref<!tpu.dma_semaphore, #tpu.memory_space<semaphore_mem>>
      %dma_start3A_160 = arith.constant 0 : i32
      %dma_start3A_161 = arith.constant 0 : i32
      %dma_start3A_162 = tpu.memref_slice %arg4[%add3A_28, %dma_start3A_160, %dma_start3A_161] : memref<64x40x128xi32, #tpu.memory_space<hbm>> -> memref<1x40x128xi32, #tpu.memory_space<hbm>>
      %dma_start3A_163 = tpu.memref_squeeze %dma_start3A_162 : memref<1x40x128xi32, #tpu.memory_space<hbm>> -> memref<40x128xi32, #tpu.memory_space<hbm>>
      %dma_start3A_164 = arith.constant 0 : i32
      %dma_start3A_165 = arith.constant 0 : i32
      %dma_start3A_166 = tpu.memref_slice %arg4[%add3A_28, %dma_start3A_164, %dma_start3A_165] : memref<64x40x128xi32, #tpu.memory_space<hbm>> -> memref<1x40x128xi32, #tpu.memory_space<hbm>>
      %dma_start3A_167 = tpu.memref_squeeze %dma_start3A_166 : memref<1x40x128xi32, #tpu.memory_space<hbm>> -> memref<40x128xi32, #tpu.memory_space<hbm>>
      tpu.enqueue_dma source(%dma_start3A_167 : memref<40x128xi32, #tpu.memory_space<hbm>>) target(%arg8 : memref<40x128xi32, #tpu.memory_space<vmem>>) target_semaphore(%run_scoped3A : memref<!tpu.dma_semaphore, #tpu.memory_space<semaphore_mem>>)
      %dma_wait3A_168 = arith.constant 0 : i32
      %dma_wait3A_169 = arith.constant 0 : i32
      %dma_wait3A_170 = tpu.memref_slice %arg4[%add3A_28, %dma_wait3A_168, %dma_wait3A_169] : memref<64x40x128xi32, #tpu.memory_space<hbm>> -> memref<1x40x128xi32, #tpu.memory_space<hbm>>
      %dma_wait3A_171 = tpu.memref_squeeze %dma_wait3A_170 : memref<1x40x128xi32, #tpu.memory_space<hbm>> -> memref<40x128xi32, #tpu.memory_space<hbm>>
      %dma_wait3A_172 = arith.constant 0 : i32
      %dma_wait3A_173 = arith.constant 0 : i32
      %dma_wait3A_174 = tpu.memref_slice %arg4[%add3A_28, %dma_wait3A_172, %dma_wait3A_173] : memref<64x40x128xi32, #tpu.memory_space<hbm>> -> memref<1x40x128xi32, #tpu.memory_space<hbm>>
      %dma_wait3A_175 = tpu.memref_squeeze %dma_wait3A_174 : memref<1x40x128xi32, #tpu.memory_space<hbm>> -> memref<40x128xi32, #tpu.memory_space<hbm>>
      tpu.wait_dma2 semaphore(%run_scoped3A : memref<!tpu.dma_semaphore, #tpu.memory_space<semaphore_mem>>) src(%dma_wait3A_175 : memref<40x128xi32, #tpu.memory_space<hbm>>) dst(%arg8 : memref<40x128xi32, #tpu.memory_space<vmem>>)
      tpu.yield
    }) : () -> ()
    %dma_start3A = arith.constant 0 : i32
    %dma_start3A_29 = arith.constant 0 : i32
    %dma_start3A_30 = tpu.memref_slice %arg8[%dma_start3A, %dma_start3A_29] : memref<40x128xi32, #tpu.memory_space<vmem>> -> memref<1x128xi32, #tpu.memory_space<vmem>>
    %dma_start3A_31 = tpu.memref_squeeze %dma_start3A_30 : memref<1x128xi32, #tpu.memory_space<vmem>> -> memref<128xi32, #tpu.memory_space<vmem>>
    %dma_start3A_32 = arith.constant 0 : i32
    %dma_start3A_33 = arith.constant 0 : i32
    %dma_start3A_34 = tpu.memref_slice %arg2[%dma_start3A_32, %dma_start3A_33] : memref<10240x128xf32, #tpu.memory_space<hbm>> -> memref<10240x128xf32, #tpu.memory_space<hbm>>
    tpu.enqueue_indirect_dma source(%dma_start3A_34 : memref<10240x128xf32, #tpu.memory_space<hbm>>) target(%arg9 : memref<128x128xf32, #tpu.memory_space<vmem>>) offsets(%dma_start3A_31 : memref<128xi32, #tpu.memory_space<vmem>>) semaphore(%arg12 : memref<!tpu.dma_semaphore, #tpu.memory_space<semaphore_mem>>)
    %dma_start3A_35 = arith.constant 1 : i32
    %dma_start3A_36 = arith.constant 0 : i32
    %dma_start3A_37 = tpu.memref_slice %arg8[%dma_start3A_35, %dma_start3A_36] : memref<40x128xi32, #tpu.memory_space<vmem>> -> memref<1x128xi32, #tpu.memory_space<vmem>>
    %dma_start3A_38 = tpu.memref_squeeze %dma_start3A_37 : memref<1x128xi32, #tpu.memory_space<vmem>> -> memref<128xi32, #tpu.memory_space<vmem>>
    %dma_start3A_39 = arith.constant 0 : i32
    %dma_start3A_40 = arith.constant 0 : i32
    %dma_start3A_41 = tpu.memref_slice %arg2[%dma_start3A_39, %dma_start3A_40] : memref<10240x128xf32, #tpu.memory_space<hbm>> -> memref<10240x128xf32, #tpu.memory_space<hbm>>
    tpu.enqueue_indirect_dma source(%dma_start3A_41 : memref<10240x128xf32, #tpu.memory_space<hbm>>) target(%arg10 : memref<128x128xf32, #tpu.memory_space<vmem>>) offsets(%dma_start3A_38 : memref<128xi32, #tpu.memory_space<vmem>>) semaphore(%arg13 : memref<!tpu.dma_semaphore, #tpu.memory_space<semaphore_mem>>)
    %scan3A = arith.constant 0 : i32
    %scan3A_42 = arith.constant 0 : i32
    %scan3A_43 = arith.constant 20 : i32
    %scan3A_44 = arith.addi %scan3A_42, %scan3A_43 : i32
    %scan3A_45 = arith.constant 1 : i32
    scf.for %scan3A_160 = %scan3A_42 to %scan3A_44 step %scan3A_45  : i32 {
      %mul3A_161 = arith.constant 2 : i32
      %mul3A_162 = arith.muli %scan3A_160, %mul3A_161 : i32
      %add3A_163 = arith.constant 0 : i32
      %add3A_164 = arith.addi %mul3A_162, %add3A_163 : i32
      %dma_wait3A_165 = arith.constant 0 : i32
      %dma_wait3A_166 = tpu.memref_slice %arg8[%add3A_164, %dma_wait3A_165] : memref<40x128xi32, #tpu.memory_space<vmem>> -> memref<1x128xi32, #tpu.memory_space<vmem>>
      %dma_wait3A_167 = tpu.memref_squeeze %dma_wait3A_166 : memref<1x128xi32, #tpu.memory_space<vmem>> -> memref<128xi32, #tpu.memory_space<vmem>>
      %dma_wait3A_168 = arith.constant 0 : i32
      %dma_wait3A_169 = arith.constant 0 : i32
      %dma_wait3A_170 = tpu.memref_slice %arg2[%dma_wait3A_168, %dma_wait3A_169] : memref<10240x128xf32, #tpu.memory_space<hbm>> -> memref<10240x128xf32, #tpu.memory_space<hbm>>
      tpu.wait_indirect_dma semaphore(%arg12 : memref<!tpu.dma_semaphore, #tpu.memory_space<semaphore_mem>>) src(%dma_wait3A_170 : memref<10240x128xf32, #tpu.memory_space<hbm>>) dst(%arg9 : memref<128x128xf32, #tpu.memory_space<vmem>>)
      %dma_start3A_171 = arith.constant 0 : i32
      %dma_start3A_172 = tpu.memref_slice %arg7[%add3A_164, %dma_start3A_171] : memref<40x128xi32, #tpu.memory_space<vmem>> -> memref<1x128xi32, #tpu.memory_space<vmem>>
      %dma_start3A_173 = tpu.memref_squeeze %dma_start3A_172 : memref<1x128xi32, #tpu.memory_space<vmem>> -> memref<128xi32, #tpu.memory_space<vmem>>
      %dma_start3A_174 = arith.constant 0 : i32
      %dma_start3A_175 = arith.constant 0 : i32
      %dma_start3A_176 = tpu.memref_slice %arg11[%dma_start3A_174, %dma_start3A_175] : memref<10240x128xf32, #tpu.memory_space<vmem_shared>> -> memref<10240x128xf32, #tpu.memory_space<vmem_shared>>
      tpu.enqueue_indirect_dma source(%arg9 : memref<128x128xf32, #tpu.memory_space<vmem>>) target(%dma_start3A_176 : memref<10240x128xf32, #tpu.memory_space<vmem_shared>>) offsets(%dma_start3A_173 : memref<128xi32, #tpu.memory_space<vmem>>) semaphore(%arg14 : memref<!tpu.dma_semaphore, #tpu.memory_space<semaphore_mem>>) {add = true}
      %dma_wait3A_177 = arith.constant 0 : i32
      %dma_wait3A_178 = tpu.memref_slice %arg7[%add3A_164, %dma_wait3A_177] : memref<40x128xi32, #tpu.memory_space<vmem>> -> memref<1x128xi32, #tpu.memory_space<vmem>>
      %dma_wait3A_179 = tpu.memref_squeeze %dma_wait3A_178 : memref<1x128xi32, #tpu.memory_space<vmem>> -> memref<128xi32, #tpu.memory_space<vmem>>
      %dma_wait3A_180 = arith.constant 0 : i32
      %dma_wait3A_181 = arith.constant 0 : i32
      %dma_wait3A_182 = tpu.memref_slice %arg11[%dma_wait3A_180, %dma_wait3A_181] : memref<10240x128xf32, #tpu.memory_space<vmem_shared>> -> memref<10240x128xf32, #tpu.memory_space<vmem_shared>>
      tpu.wait_indirect_dma semaphore(%arg14 : memref<!tpu.dma_semaphore, #tpu.memory_space<semaphore_mem>>) src(%arg9 : memref<128x128xf32, #tpu.memory_space<vmem>>) dst(%dma_wait3A_182 : memref<10240x128xf32, #tpu.memory_space<vmem_shared>>)
      %add3A_183 = arith.constant 2 : i32
      %add3A_184 = arith.addi %add3A_164, %add3A_183 : i32
      %lt3A = arith.constant 40 : i32
      %lt3A_185 = arith.cmpi slt, %add3A_184, %lt3A : i32
      %convert_element_type3A = arith.extui %lt3A_185 : i1 to i32
      %cond3A = arith.constant 0 : i32
      %cond3A_186 = arith.cmpi ne, %convert_element_type3A, %cond3A : i32
      scf.if %cond3A_186 {
        %dma_start3A_216 = arith.constant 0 : i32
        %dma_start3A_217 = tpu.memref_slice %arg8[%add3A_184, %dma_start3A_216] : memref<40x128xi32, #tpu.memory_space<vmem>> -> memref<1x128xi32, #tpu.memory_space<vmem>>
        %dma_start3A_218 = tpu.memref_squeeze %dma_start3A_217 : memref<1x128xi32, #tpu.memory_space<vmem>> -> memref<128xi32, #tpu.memory_space<vmem>>
        %dma_start3A_219 = arith.constant 0 : i32
        %dma_start3A_220 = arith.constant 0 : i32
        %dma_start3A_221 = tpu.memref_slice %arg2[%dma_start3A_219, %dma_start3A_220] : memref<10240x128xf32, #tpu.memory_space<hbm>> -> memref<10240x128xf32, #tpu.memory_space<hbm>>
        tpu.enqueue_indirect_dma source(%dma_start3A_221 : memref<10240x128xf32, #tpu.memory_space<hbm>>) target(%arg9 : memref<128x128xf32, #tpu.memory_space<vmem>>) offsets(%dma_start3A_218 : memref<128xi32, #tpu.memory_space<vmem>>) semaphore(%arg12 : memref<!tpu.dma_semaphore, #tpu.memory_space<semaphore_mem>>)
      } else {
      }
      %mul3A_187 = arith.constant 2 : i32
      %mul3A_188 = arith.muli %scan3A_160, %mul3A_187 : i32
      %add3A_189 = arith.constant 1 : i32
      %add3A_190 = arith.addi %mul3A_188, %add3A_189 : i32
      %dma_wait3A_191 = arith.constant 0 : i32
      %dma_wait3A_192 = tpu.memref_slice %arg8[%add3A_190, %dma_wait3A_191] : memref<40x128xi32, #tpu.memory_space<vmem>> -> memref<1x128xi32, #tpu.memory_space<vmem>>
      %dma_wait3A_193 = tpu.memref_squeeze %dma_wait3A_192 : memref<1x128xi32, #tpu.memory_space<vmem>> -> memref<128xi32, #tpu.memory_space<vmem>>
      %dma_wait3A_194 = arith.constant 0 : i32
      %dma_wait3A_195 = arith.constant 0 : i32
      %dma_wait3A_196 = tpu.memref_slice %arg2[%dma_wait3A_194, %dma_wait3A_195] : memref<10240x128xf32, #tpu.memory_space<hbm>> -> memref<10240x128xf32, #tpu.memory_space<hbm>>
      tpu.wait_indirect_dma semaphore(%arg13 : memref<!tpu.dma_semaphore, #tpu.memory_space<semaphore_mem>>) src(%dma_wait3A_196 : memref<10240x128xf32, #tpu.memory_space<hbm>>) dst(%arg10 : memref<128x128xf32, #tpu.memory_space<vmem>>)
      %dma_start3A_197 = arith.constant 0 : i32
      %dma_start3A_198 = tpu.memref_slice %arg7[%add3A_190, %dma_start3A_197] : memref<40x128xi32, #tpu.memory_space<vmem>> -> memref<1x128xi32, #tpu.memory_space<vmem>>
      %dma_start3A_199 = tpu.memref_squeeze %dma_start3A_198 : memref<1x128xi32, #tpu.memory_space<vmem>> -> memref<128xi32, #tpu.memory_space<vmem>>
      %dma_start3A_200 = arith.constant 0 : i32
      %dma_start3A_201 = arith.constant 0 : i32
      %dma_start3A_202 = tpu.memref_slice %arg11[%dma_start3A_200, %dma_start3A_201] : memref<10240x128xf32, #tpu.memory_space<vmem_shared>> -> memref<10240x128xf32, #tpu.memory_space<vmem_shared>>
      tpu.enqueue_indirect_dma source(%arg10 : memref<128x128xf32, #tpu.memory_space<vmem>>) target(%dma_start3A_202 : memref<10240x128xf32, #tpu.memory_space<vmem_shared>>) offsets(%dma_start3A_199 : memref<128xi32, #tpu.memory_space<vmem>>) semaphore(%arg15 : memref<!tpu.dma_semaphore, #tpu.memory_space<semaphore_mem>>) {add = true}
      %dma_wait3A_203 = arith.constant 0 : i32
      %dma_wait3A_204 = tpu.memref_slice %arg7[%add3A_190, %dma_wait3A_203] : memref<40x128xi32, #tpu.memory_space<vmem>> -> memref<1x128xi32, #tpu.memory_space<vmem>>
      %dma_wait3A_205 = tpu.memref_squeeze %dma_wait3A_204 : memref<1x128xi32, #tpu.memory_space<vmem>> -> memref<128xi32, #tpu.memory_space<vmem>>
      %dma_wait3A_206 = arith.constant 0 : i32
      %dma_wait3A_207 = arith.constant 0 : i32
      %dma_wait3A_208 = tpu.memref_slice %arg11[%dma_wait3A_206, %dma_wait3A_207] : memref<10240x128xf32, #tpu.memory_space<vmem_shared>> -> memref<10240x128xf32, #tpu.memory_space<vmem_shared>>
      tpu.wait_indirect_dma semaphore(%arg15 : memref<!tpu.dma_semaphore, #tpu.memory_space<semaphore_mem>>) src(%arg10 : memref<128x128xf32, #tpu.memory_space<vmem>>) dst(%dma_wait3A_208 : memref<10240x128xf32, #tpu.memory_space<vmem_shared>>)
      %add3A_209 = arith.constant 2 : i32
      %add3A_210 = arith.addi %add3A_190, %add3A_209 : i32
      %lt3A_211 = arith.constant 40 : i32
      %lt3A_212 = arith.cmpi slt, %add3A_210, %lt3A_211 : i32
      %convert_element_type3A_213 = arith.extui %lt3A_212 : i1 to i32
      %cond3A_214 = arith.constant 0 : i32
      %cond3A_215 = arith.cmpi ne, %convert_element_type3A_213, %cond3A_214 : i32
      scf.if %cond3A_215 {
        %dma_start3A_216 = arith.constant 0 : i32
        %dma_start3A_217 = tpu.memref_slice %arg8[%add3A_210, %dma_start3A_216] : memref<40x128xi32, #tpu.memory_space<vmem>> -> memref<1x128xi32, #tpu.memory_space<vmem>>
        %dma_start3A_218 = tpu.memref_squeeze %dma_start3A_217 : memref<1x128xi32, #tpu.memory_space<vmem>> -> memref<128xi32, #tpu.memory_space<vmem>>
        %dma_start3A_219 = arith.constant 0 : i32
        %dma_start3A_220 = arith.constant 0 : i32
        %dma_start3A_221 = tpu.memref_slice %arg2[%dma_start3A_219, %dma_start3A_220] : memref<10240x128xf32, #tpu.memory_space<hbm>> -> memref<10240x128xf32, #tpu.memory_space<hbm>>
        tpu.enqueue_indirect_dma source(%dma_start3A_221 : memref<10240x128xf32, #tpu.memory_space<hbm>>) target(%arg10 : memref<128x128xf32, #tpu.memory_space<vmem>>) offsets(%dma_start3A_218 : memref<128xi32, #tpu.memory_space<vmem>>) semaphore(%arg13 : memref<!tpu.dma_semaphore, #tpu.memory_space<semaphore_mem>>)
      } else {
      }
    }
    %scan3A_46 = arith.constant 20 : i32
    %mul3A_47 = arith.constant 2 : i32
    %mul3A_48 = arith.muli %add3A, %mul3A_47 : i32
    %add3A_49 = arith.constant 1 : i32
    %add3A_50 = arith.addi %mul3A_48, %add3A_49 : i32
    "tpu.region"() ({
      %run_scoped3A = tpu.sem_alloc : memref<!tpu.dma_semaphore, #tpu.memory_space<semaphore_mem>>
      %dma_start3A_160 = arith.constant 0 : i32
      %dma_start3A_161 = arith.constant 0 : i32
      %dma_start3A_162 = tpu.memref_slice %arg3[%add3A_50, %dma_start3A_160, %dma_start3A_161] : memref<64x40x128xi32, #tpu.memory_space<hbm>> -> memref<1x40x128xi32, #tpu.memory_space<hbm>>
      %dma_start3A_163 = tpu.memref_squeeze %dma_start3A_162 : memref<1x40x128xi32, #tpu.memory_space<hbm>> -> memref<40x128xi32, #tpu.memory_space<hbm>>
      %dma_start3A_164 = arith.constant 0 : i32
      %dma_start3A_165 = arith.constant 0 : i32
      %dma_start3A_166 = tpu.memref_slice %arg3[%add3A_50, %dma_start3A_164, %dma_start3A_165] : memref<64x40x128xi32, #tpu.memory_space<hbm>> -> memref<1x40x128xi32, #tpu.memory_space<hbm>>
      %dma_start3A_167 = tpu.memref_squeeze %dma_start3A_166 : memref<1x40x128xi32, #tpu.memory_space<hbm>> -> memref<40x128xi32, #tpu.memory_space<hbm>>
      tpu.enqueue_dma source(%dma_start3A_167 : memref<40x128xi32, #tpu.memory_space<hbm>>) target(%arg7 : memref<40x128xi32, #tpu.memory_space<vmem>>) target_semaphore(%run_scoped3A : memref<!tpu.dma_semaphore, #tpu.memory_space<semaphore_mem>>)
      %dma_wait3A_168 = arith.constant 0 : i32
      %dma_wait3A_169 = arith.constant 0 : i32
      %dma_wait3A_170 = tpu.memref_slice %arg3[%add3A_50, %dma_wait3A_168, %dma_wait3A_169] : memref<64x40x128xi32, #tpu.memory_space<hbm>> -> memref<1x40x128xi32, #tpu.memory_space<hbm>>
      %dma_wait3A_171 = tpu.memref_squeeze %dma_wait3A_170 : memref<1x40x128xi32, #tpu.memory_space<hbm>> -> memref<40x128xi32, #tpu.memory_space<hbm>>
      %dma_wait3A_172 = arith.constant 0 : i32
      %dma_wait3A_173 = arith.constant 0 : i32
      %dma_wait3A_174 = tpu.memref_slice %arg3[%add3A_50, %dma_wait3A_172, %dma_wait3A_173] : memref<64x40x128xi32, #tpu.memory_space<hbm>> -> memref<1x40x128xi32, #tpu.memory_space<hbm>>
      %dma_wait3A_175 = tpu.memref_squeeze %dma_wait3A_174 : memref<1x40x128xi32, #tpu.memory_space<hbm>> -> memref<40x128xi32, #tpu.memory_space<hbm>>
      tpu.wait_dma2 semaphore(%run_scoped3A : memref<!tpu.dma_semaphore, #tpu.memory_space<semaphore_mem>>) src(%dma_wait3A_175 : memref<40x128xi32, #tpu.memory_space<hbm>>) dst(%arg7 : memref<40x128xi32, #tpu.memory_space<vmem>>)
      tpu.yield
    }) : () -> ()
    %mul3A_51 = arith.constant 2 : i32
    %mul3A_52 = arith.muli %add3A, %mul3A_51 : i32
    %add3A_53 = arith.constant 1 : i32
    %add3A_54 = arith.addi %mul3A_52, %add3A_53 : i32
    "tpu.region"() ({
      %run_scoped3A = tpu.sem_alloc : memref<!tpu.dma_semaphore, #tpu.memory_space<semaphore_mem>>
      %dma_start3A_160 = arith.constant 0 : i32
      %dma_start3A_161 = arith.constant 0 : i32
      %dma_start3A_162 = tpu.memref_slice %arg4[%add3A_54, %dma_start3A_160, %dma_start3A_161] : memref<64x40x128xi32, #tpu.memory_space<hbm>> -> memref<1x40x128xi32, #tpu.memory_space<hbm>>
      %dma_start3A_163 = tpu.memref_squeeze %dma_start3A_162 : memref<1x40x128xi32, #tpu.memory_space<hbm>> -> memref<40x128xi32, #tpu.memory_space<hbm>>
      %dma_start3A_164 = arith.constant 0 : i32
      %dma_start3A_165 = arith.constant 0 : i32
      %dma_start3A_166 = tpu.memref_slice %arg4[%add3A_54, %dma_start3A_164, %dma_start3A_165] : memref<64x40x128xi32, #tpu.memory_space<hbm>> -> memref<1x40x128xi32, #tpu.memory_space<hbm>>
      %dma_start3A_167 = tpu.memref_squeeze %dma_start3A_166 : memref<1x40x128xi32, #tpu.memory_space<hbm>> -> memref<40x128xi32, #tpu.memory_space<hbm>>
      tpu.enqueue_dma source(%dma_start3A_167 : memref<40x128xi32, #tpu.memory_space<hbm>>) target(%arg8 : memref<40x128xi32, #tpu.memory_space<vmem>>) target_semaphore(%run_scoped3A : memref<!tpu.dma_semaphore, #tpu.memory_space<semaphore_mem>>)
      %dma_wait3A_168 = arith.constant 0 : i32
      %dma_wait3A_169 = arith.constant 0 : i32
      %dma_wait3A_170 = tpu.memref_slice %arg4[%add3A_54, %dma_wait3A_168, %dma_wait3A_169] : memref<64x40x128xi32, #tpu.memory_space<hbm>> -> memref<1x40x128xi32, #tpu.memory_space<hbm>>
      %dma_wait3A_171 = tpu.memref_squeeze %dma_wait3A_170 : memref<1x40x128xi32, #tpu.memory_space<hbm>> -> memref<40x128xi32, #tpu.memory_space<hbm>>
      %dma_wait3A_172 = arith.constant 0 : i32
      %dma_wait3A_173 = arith.constant 0 : i32
      %dma_wait3A_174 = tpu.memref_slice %arg4[%add3A_54, %dma_wait3A_172, %dma_wait3A_173] : memref<64x40x128xi32, #tpu.memory_space<hbm>> -> memref<1x40x128xi32, #tpu.memory_space<hbm>>
      %dma_wait3A_175 = tpu.memref_squeeze %dma_wait3A_174 : memref<1x40x128xi32, #tpu.memory_space<hbm>> -> memref<40x128xi32, #tpu.memory_space<hbm>>
      tpu.wait_dma2 semaphore(%run_scoped3A : memref<!tpu.dma_semaphore, #tpu.memory_space<semaphore_mem>>) src(%dma_wait3A_175 : memref<40x128xi32, #tpu.memory_space<hbm>>) dst(%arg8 : memref<40x128xi32, #tpu.memory_space<vmem>>)
      tpu.yield
    }) : () -> ()
    %dma_start3A_55 = arith.constant 0 : i32
    %dma_start3A_56 = arith.constant 0 : i32
    %dma_start3A_57 = tpu.memref_slice %arg8[%dma_start3A_55, %dma_start3A_56] : memref<40x128xi32, #tpu.memory_space<vmem>> -> memref<1x128xi32, #tpu.memory_space<vmem>>
    %dma_start3A_58 = tpu.memref_squeeze %dma_start3A_57 : memref<1x128xi32, #tpu.memory_space<vmem>> -> memref<128xi32, #tpu.memory_space<vmem>>
    %dma_start3A_59 = arith.constant 0 : i32
    %dma_start3A_60 = arith.constant 0 : i32
    %dma_start3A_61 = tpu.memref_slice %arg2[%dma_start3A_59, %dma_start3A_60] : memref<10240x128xf32, #tpu.memory_space<hbm>> -> memref<10240x128xf32, #tpu.memory_space<hbm>>
    tpu.enqueue_indirect_dma source(%dma_start3A_61 : memref<10240x128xf32, #tpu.memory_space<hbm>>) target(%arg9 : memref<128x128xf32, #tpu.memory_space<vmem>>) offsets(%dma_start3A_58 : memref<128xi32, #tpu.memory_space<vmem>>) semaphore(%arg12 : memref<!tpu.dma_semaphore, #tpu.memory_space<semaphore_mem>>)
    %dma_start3A_62 = arith.constant 1 : i32
    %dma_start3A_63 = arith.constant 0 : i32
    %dma_start3A_64 = tpu.memref_slice %arg8[%dma_start3A_62, %dma_start3A_63] : memref<40x128xi32, #tpu.memory_space<vmem>> -> memref<1x128xi32, #tpu.memory_space<vmem>>
    %dma_start3A_65 = tpu.memref_squeeze %dma_start3A_64 : memref<1x128xi32, #tpu.memory_space<vmem>> -> memref<128xi32, #tpu.memory_space<vmem>>
    %dma_start3A_66 = arith.constant 0 : i32
    %dma_start3A_67 = arith.constant 0 : i32
    %dma_start3A_68 = tpu.memref_slice %arg2[%dma_start3A_66, %dma_start3A_67] : memref<10240x128xf32, #tpu.memory_space<hbm>> -> memref<10240x128xf32, #tpu.memory_space<hbm>>
    tpu.enqueue_indirect_dma source(%dma_start3A_68 : memref<10240x128xf32, #tpu.memory_space<hbm>>) target(%arg10 : memref<128x128xf32, #tpu.memory_space<vmem>>) offsets(%dma_start3A_65 : memref<128xi32, #tpu.memory_space<vmem>>) semaphore(%arg13 : memref<!tpu.dma_semaphore, #tpu.memory_space<semaphore_mem>>)
    %scan3A_69 = arith.constant 0 : i32
    %scan3A_70 = arith.constant 0 : i32
    %scan3A_71 = arith.constant 20 : i32
    %scan3A_72 = arith.addi %scan3A_70, %scan3A_71 : i32
    %scan3A_73 = arith.constant 1 : i32
    scf.for %scan3A_160 = %scan3A_70 to %scan3A_72 step %scan3A_73  : i32 {
      %mul3A_161 = arith.constant 2 : i32
      %mul3A_162 = arith.muli %scan3A_160, %mul3A_161 : i32
      %add3A_163 = arith.constant 0 : i32
      %add3A_164 = arith.addi %mul3A_162, %add3A_163 : i32
      %dma_wait3A_165 = arith.constant 0 : i32
      %dma_wait3A_166 = tpu.memref_slice %arg8[%add3A_164, %dma_wait3A_165] : memref<40x128xi32, #tpu.memory_space<vmem>> -> memref<1x128xi32, #tpu.memory_space<vmem>>
      %dma_wait3A_167 = tpu.memref_squeeze %dma_wait3A_166 : memref<1x128xi32, #tpu.memory_space<vmem>> -> memref<128xi32, #tpu.memory_space<vmem>>
      %dma_wait3A_168 = arith.constant 0 : i32
      %dma_wait3A_169 = arith.constant 0 : i32
      %dma_wait3A_170 = tpu.memref_slice %arg2[%dma_wait3A_168, %dma_wait3A_169] : memref<10240x128xf32, #tpu.memory_space<hbm>> -> memref<10240x128xf32, #tpu.memory_space<hbm>>
      tpu.wait_indirect_dma semaphore(%arg12 : memref<!tpu.dma_semaphore, #tpu.memory_space<semaphore_mem>>) src(%dma_wait3A_170 : memref<10240x128xf32, #tpu.memory_space<hbm>>) dst(%arg9 : memref<128x128xf32, #tpu.memory_space<vmem>>)
      %dma_start3A_171 = arith.constant 0 : i32
      %dma_start3A_172 = tpu.memref_slice %arg7[%add3A_164, %dma_start3A_171] : memref<40x128xi32, #tpu.memory_space<vmem>> -> memref<1x128xi32, #tpu.memory_space<vmem>>
      %dma_start3A_173 = tpu.memref_squeeze %dma_start3A_172 : memref<1x128xi32, #tpu.memory_space<vmem>> -> memref<128xi32, #tpu.memory_space<vmem>>
      %dma_start3A_174 = arith.constant 0 : i32
      %dma_start3A_175 = arith.constant 0 : i32
      %dma_start3A_176 = tpu.memref_slice %arg11[%dma_start3A_174, %dma_start3A_175] : memref<10240x128xf32, #tpu.memory_space<vmem_shared>> -> memref<10240x128xf32, #tpu.memory_space<vmem_shared>>
      tpu.enqueue_indirect_dma source(%arg9 : memref<128x128xf32, #tpu.memory_space<vmem>>) target(%dma_start3A_176 : memref<10240x128xf32, #tpu.memory_space<vmem_shared>>) offsets(%dma_start3A_173 : memref<128xi32, #tpu.memory_space<vmem>>) semaphore(%arg14 : memref<!tpu.dma_semaphore, #tpu.memory_space<semaphore_mem>>) {add = true}
      %dma_wait3A_177 = arith.constant 0 : i32
      %dma_wait3A_178 = tpu.memref_slice %arg7[%add3A_164, %dma_wait3A_177] : memref<40x128xi32, #tpu.memory_space<vmem>> -> memref<1x128xi32, #tpu.memory_space<vmem>>
      %dma_wait3A_179 = tpu.memref_squeeze %dma_wait3A_178 : memref<1x128xi32, #tpu.memory_space<vmem>> -> memref<128xi32, #tpu.memory_space<vmem>>
      %dma_wait3A_180 = arith.constant 0 : i32
      %dma_wait3A_181 = arith.constant 0 : i32
      %dma_wait3A_182 = tpu.memref_slice %arg11[%dma_wait3A_180, %dma_wait3A_181] : memref<10240x128xf32, #tpu.memory_space<vmem_shared>> -> memref<10240x128xf32, #tpu.memory_space<vmem_shared>>
      tpu.wait_indirect_dma semaphore(%arg14 : memref<!tpu.dma_semaphore, #tpu.memory_space<semaphore_mem>>) src(%arg9 : memref<128x128xf32, #tpu.memory_space<vmem>>) dst(%dma_wait3A_182 : memref<10240x128xf32, #tpu.memory_space<vmem_shared>>)
      %add3A_183 = arith.constant 2 : i32
      %add3A_184 = arith.addi %add3A_164, %add3A_183 : i32
      %lt3A = arith.constant 40 : i32
      %lt3A_185 = arith.cmpi slt, %add3A_184, %lt3A : i32
      %convert_element_type3A = arith.extui %lt3A_185 : i1 to i32
      %cond3A = arith.constant 0 : i32
      %cond3A_186 = arith.cmpi ne, %convert_element_type3A, %cond3A : i32
      scf.if %cond3A_186 {
        %dma_start3A_216 = arith.constant 0 : i32
        %dma_start3A_217 = tpu.memref_slice %arg8[%add3A_184, %dma_start3A_216] : memref<40x128xi32, #tpu.memory_space<vmem>> -> memref<1x128xi32, #tpu.memory_space<vmem>>
        %dma_start3A_218 = tpu.memref_squeeze %dma_start3A_217 : memref<1x128xi32, #tpu.memory_space<vmem>> -> memref<128xi32, #tpu.memory_space<vmem>>
        %dma_start3A_219 = arith.constant 0 : i32
        %dma_start3A_220 = arith.constant 0 : i32
        %dma_start3A_221 = tpu.memref_slice %arg2[%dma_start3A_219, %dma_start3A_220] : memref<10240x128xf32, #tpu.memory_space<hbm>> -> memref<10240x128xf32, #tpu.memory_space<hbm>>
        tpu.enqueue_indirect_dma source(%dma_start3A_221 : memref<10240x128xf32, #tpu.memory_space<hbm>>) target(%arg9 : memref<128x128xf32, #tpu.memory_space<vmem>>) offsets(%dma_start3A_218 : memref<128xi32, #tpu.memory_space<vmem>>) semaphore(%arg12 : memref<!tpu.dma_semaphore, #tpu.memory_space<semaphore_mem>>)
      } else {
      }
      %mul3A_187 = arith.constant 2 : i32
      %mul3A_188 = arith.muli %scan3A_160, %mul3A_187 : i32
      %add3A_189 = arith.constant 1 : i32
      %add3A_190 = arith.addi %mul3A_188, %add3A_189 : i32
      %dma_wait3A_191 = arith.constant 0 : i32
      %dma_wait3A_192 = tpu.memref_slice %arg8[%add3A_190, %dma_wait3A_191] : memref<40x128xi32, #tpu.memory_space<vmem>> -> memref<1x128xi32, #tpu.memory_space<vmem>>
      %dma_wait3A_193 = tpu.memref_squeeze %dma_wait3A_192 : memref<1x128xi32, #tpu.memory_space<vmem>> -> memref<128xi32, #tpu.memory_space<vmem>>
      %dma_wait3A_194 = arith.constant 0 : i32
      %dma_wait3A_195 = arith.constant 0 : i32
      %dma_wait3A_196 = tpu.memref_slice %arg2[%dma_wait3A_194, %dma_wait3A_195] : memref<10240x128xf32, #tpu.memory_space<hbm>> -> memref<10240x128xf32, #tpu.memory_space<hbm>>
      tpu.wait_indirect_dma semaphore(%arg13 : memref<!tpu.dma_semaphore, #tpu.memory_space<semaphore_mem>>) src(%dma_wait3A_196 : memref<10240x128xf32, #tpu.memory_space<hbm>>) dst(%arg10 : memref<128x128xf32, #tpu.memory_space<vmem>>)
      %dma_start3A_197 = arith.constant 0 : i32
      %dma_start3A_198 = tpu.memref_slice %arg7[%add3A_190, %dma_start3A_197] : memref<40x128xi32, #tpu.memory_space<vmem>> -> memref<1x128xi32, #tpu.memory_space<vmem>>
      %dma_start3A_199 = tpu.memref_squeeze %dma_start3A_198 : memref<1x128xi32, #tpu.memory_space<vmem>> -> memref<128xi32, #tpu.memory_space<vmem>>
      %dma_start3A_200 = arith.constant 0 : i32
      %dma_start3A_201 = arith.constant 0 : i32
      %dma_start3A_202 = tpu.memref_slice %arg11[%dma_start3A_200, %dma_start3A_201] : memref<10240x128xf32, #tpu.memory_space<vmem_shared>> -> memref<10240x128xf32, #tpu.memory_space<vmem_shared>>
      tpu.enqueue_indirect_dma source(%arg10 : memref<128x128xf32, #tpu.memory_space<vmem>>) target(%dma_start3A_202 : memref<10240x128xf32, #tpu.memory_space<vmem_shared>>) offsets(%dma_start3A_199 : memref<128xi32, #tpu.memory_space<vmem>>) semaphore(%arg15 : memref<!tpu.dma_semaphore, #tpu.memory_space<semaphore_mem>>) {add = true}
      %dma_wait3A_203 = arith.constant 0 : i32
      %dma_wait3A_204 = tpu.memref_slice %arg7[%add3A_190, %dma_wait3A_203] : memref<40x128xi32, #tpu.memory_space<vmem>> -> memref<1x128xi32, #tpu.memory_space<vmem>>
      %dma_wait3A_205 = tpu.memref_squeeze %dma_wait3A_204 : memref<1x128xi32, #tpu.memory_space<vmem>> -> memref<128xi32, #tpu.memory_space<vmem>>
      %dma_wait3A_206 = arith.constant 0 : i32
      %dma_wait3A_207 = arith.constant 0 : i32
      %dma_wait3A_208 = tpu.memref_slice %arg11[%dma_wait3A_206, %dma_wait3A_207] : memref<10240x128xf32, #tpu.memory_space<vmem_shared>> -> memref<10240x128xf32, #tpu.memory_space<vmem_shared>>
      tpu.wait_indirect_dma semaphore(%arg15 : memref<!tpu.dma_semaphore, #tpu.memory_space<semaphore_mem>>) src(%arg10 : memref<128x128xf32, #tpu.memory_space<vmem>>) dst(%dma_wait3A_208 : memref<10240x128xf32, #tpu.memory_space<vmem_shared>>)
      %add3A_209 = arith.constant 2 : i32
      %add3A_210 = arith.addi %add3A_190, %add3A_209 : i32
      %lt3A_211 = arith.constant 40 : i32
      %lt3A_212 = arith.cmpi slt, %add3A_210, %lt3A_211 : i32
      %convert_element_type3A_213 = arith.extui %lt3A_212 : i1 to i32
      %cond3A_214 = arith.constant 0 : i32
      %cond3A_215 = arith.cmpi ne, %convert_element_type3A_213, %cond3A_214 : i32
      scf.if %cond3A_215 {
        %dma_start3A_216 = arith.constant 0 : i32
        %dma_start3A_217 = tpu.memref_slice %arg8[%add3A_210, %dma_start3A_216] : memref<40x128xi32, #tpu.memory_space<vmem>> -> memref<1x128xi32, #tpu.memory_space<vmem>>
        %dma_start3A_218 = tpu.memref_squeeze %dma_start3A_217 : memref<1x128xi32, #tpu.memory_space<vmem>> -> memref<128xi32, #tpu.memory_space<vmem>>
        %dma_start3A_219 = arith.constant 0 : i32
        %dma_start3A_220 = arith.constant 0 : i32
        %dma_start3A_221 = tpu.memref_slice %arg2[%dma_start3A_219, %dma_start3A_220] : memref<10240x128xf32, #tpu.memory_space<hbm>> -> memref<10240x128xf32, #tpu.memory_space<hbm>>
        tpu.enqueue_indirect_dma source(%dma_start3A_221 : memref<10240x128xf32, #tpu.memory_space<hbm>>) target(%arg10 : memref<128x128xf32, #tpu.memory_space<vmem>>) offsets(%dma_start3A_218 : memref<128xi32, #tpu.memory_space<vmem>>) semaphore(%arg13 : memref<!tpu.dma_semaphore, #tpu.memory_space<semaphore_mem>>)
      } else {
      }
    }
    %scan3A_74 = arith.constant 20 : i32
    %barrier3A_75 = arith.constant 0 : index
    tpu.barrier barrier_id(%barrier3A_75)
    %mul3A_76 = arith.constant 10240 : i32
    %mul3A_77 = arith.muli %arg0, %mul3A_76 : i32
    %mul3A_78 = arith.constant 640 : i32
    %mul3A_79 = arith.muli %arg1, %mul3A_78 : i32
    %add3A_80 = arith.addi %mul3A_77, %mul3A_79 : i32
    %mul3A_81 = arith.constant 640 : i32
    %mul3A_82 = arith.muli %arg1, %mul3A_81 : i32
    %add3A_83 = arith.constant 0 : i32
    %add3A_84 = arith.addi %mul3A_82, %add3A_83 : i32
    "tpu.region"() ({
      %run_scoped3A = tpu.sem_alloc : memref<!tpu.dma_semaphore, #tpu.memory_space<semaphore_mem>>
      %dma_start3A_160 = arith.constant 0 : i32
      %dma_start3A_161 = tpu.memref_slice %arg11[%add3A_84, %dma_start3A_160] : memref<10240x128xf32, #tpu.memory_space<vmem_shared>> -> memref<128x128xf32, #tpu.memory_space<vmem_shared>>
      %dma_start3A_162 = arith.constant 0 : i32
      %dma_start3A_163 = tpu.memref_slice %arg11[%add3A_84, %dma_start3A_162] : memref<10240x128xf32, #tpu.memory_space<vmem_shared>> -> memref<128x128xf32, #tpu.memory_space<vmem_shared>>
      tpu.enqueue_dma source(%dma_start3A_163 : memref<128x128xf32, #tpu.memory_space<vmem_shared>>) target(%arg9 : memref<128x128xf32, #tpu.memory_space<vmem>>) target_semaphore(%run_scoped3A : memref<!tpu.dma_semaphore, #tpu.memory_space<semaphore_mem>>)
      %dma_wait3A_164 = arith.constant 0 : i32
      %dma_wait3A_165 = tpu.memref_slice %arg11[%add3A_84, %dma_wait3A_164] : memref<10240x128xf32, #tpu.memory_space<vmem_shared>> -> memref<128x128xf32, #tpu.memory_space<vmem_shared>>
      %dma_wait3A_166 = arith.constant 0 : i32
      %dma_wait3A_167 = tpu.memref_slice %arg11[%add3A_84, %dma_wait3A_166] : memref<10240x128xf32, #tpu.memory_space<vmem_shared>> -> memref<128x128xf32, #tpu.memory_space<vmem_shared>>
      tpu.wait_dma2 semaphore(%run_scoped3A : memref<!tpu.dma_semaphore, #tpu.memory_space<semaphore_mem>>) src(%dma_wait3A_167 : memref<128x128xf32, #tpu.memory_space<vmem_shared>>) dst(%arg9 : memref<128x128xf32, #tpu.memory_space<vmem>>)
      tpu.yield
    }) : () -> ()
    %add3A_85 = arith.constant 0 : i32
    %add3A_86 = arith.addi %add3A_80, %add3A_85 : i32
    %dma_start3A_87 = arith.constant 0 : i32
    %dma_start3A_88 = tpu.memref_slice %arg6[%add3A_86, %dma_start3A_87] : memref<20480x128xf32, #tpu.memory_space<hbm>> -> memref<128x128xf32, #tpu.memory_space<hbm>>
    %dma_start3A_89 = arith.constant 0 : i32
    %dma_start3A_90 = tpu.memref_slice %arg6[%add3A_86, %dma_start3A_89] : memref<20480x128xf32, #tpu.memory_space<hbm>> -> memref<128x128xf32, #tpu.memory_space<hbm>>
    tpu.enqueue_dma source(%arg9 : memref<128x128xf32, #tpu.memory_space<vmem>>) target(%dma_start3A_90 : memref<128x128xf32, #tpu.memory_space<hbm>>) target_semaphore(%arg12 : memref<!tpu.dma_semaphore, #tpu.memory_space<semaphore_mem>>)
    %mul3A_91 = arith.constant 640 : i32
    %mul3A_92 = arith.muli %arg1, %mul3A_91 : i32
    %add3A_93 = arith.constant 128 : i32
    %add3A_94 = arith.addi %mul3A_92, %add3A_93 : i32
    "tpu.region"() ({
      %run_scoped3A = tpu.sem_alloc : memref<!tpu.dma_semaphore, #tpu.memory_space<semaphore_mem>>
      %dma_start3A_160 = arith.constant 0 : i32
      %dma_start3A_161 = tpu.memref_slice %arg11[%add3A_94, %dma_start3A_160] : memref<10240x128xf32, #tpu.memory_space<vmem_shared>> -> memref<128x128xf32, #tpu.memory_space<vmem_shared>>
      %dma_start3A_162 = arith.constant 0 : i32
      %dma_start3A_163 = tpu.memref_slice %arg11[%add3A_94, %dma_start3A_162] : memref<10240x128xf32, #tpu.memory_space<vmem_shared>> -> memref<128x128xf32, #tpu.memory_space<vmem_shared>>
      tpu.enqueue_dma source(%dma_start3A_163 : memref<128x128xf32, #tpu.memory_space<vmem_shared>>) target(%arg10 : memref<128x128xf32, #tpu.memory_space<vmem>>) target_semaphore(%run_scoped3A : memref<!tpu.dma_semaphore, #tpu.memory_space<semaphore_mem>>)
      %dma_wait3A_164 = arith.constant 0 : i32
      %dma_wait3A_165 = tpu.memref_slice %arg11[%add3A_94, %dma_wait3A_164] : memref<10240x128xf32, #tpu.memory_space<vmem_shared>> -> memref<128x128xf32, #tpu.memory_space<vmem_shared>>
      %dma_wait3A_166 = arith.constant 0 : i32
      %dma_wait3A_167 = tpu.memref_slice %arg11[%add3A_94, %dma_wait3A_166] : memref<10240x128xf32, #tpu.memory_space<vmem_shared>> -> memref<128x128xf32, #tpu.memory_space<vmem_shared>>
      tpu.wait_dma2 semaphore(%run_scoped3A : memref<!tpu.dma_semaphore, #tpu.memory_space<semaphore_mem>>) src(%dma_wait3A_167 : memref<128x128xf32, #tpu.memory_space<vmem_shared>>) dst(%arg10 : memref<128x128xf32, #tpu.memory_space<vmem>>)
      tpu.yield
    }) : () -> ()
    %add3A_95 = arith.constant 128 : i32
    %add3A_96 = arith.addi %add3A_80, %add3A_95 : i32
    %dma_start3A_97 = arith.constant 0 : i32
    %dma_start3A_98 = tpu.memref_slice %arg6[%add3A_96, %dma_start3A_97] : memref<20480x128xf32, #tpu.memory_space<hbm>> -> memref<128x128xf32, #tpu.memory_space<hbm>>
    %dma_start3A_99 = arith.constant 0 : i32
    %dma_start3A_100 = tpu.memref_slice %arg6[%add3A_96, %dma_start3A_99] : memref<20480x128xf32, #tpu.memory_space<hbm>> -> memref<128x128xf32, #tpu.memory_space<hbm>>
    tpu.enqueue_dma source(%arg10 : memref<128x128xf32, #tpu.memory_space<vmem>>) target(%dma_start3A_100 : memref<128x128xf32, #tpu.memory_space<hbm>>) target_semaphore(%arg13 : memref<!tpu.dma_semaphore, #tpu.memory_space<semaphore_mem>>)
    %add3A_101 = arith.constant 0 : i32
    %add3A_102 = arith.addi %add3A_80, %add3A_101 : i32
    %dma_wait3A = arith.constant 0 : i32
    %dma_wait3A_103 = tpu.memref_slice %arg6[%add3A_102, %dma_wait3A] : memref<20480x128xf32, #tpu.memory_space<hbm>> -> memref<128x128xf32, #tpu.memory_space<hbm>>
    %dma_wait3A_104 = arith.constant 0 : i32
    %dma_wait3A_105 = tpu.memref_slice %arg6[%add3A_102, %dma_wait3A_104] : memref<20480x128xf32, #tpu.memory_space<hbm>> -> memref<128x128xf32, #tpu.memory_space<hbm>>
    tpu.wait_dma2 semaphore(%arg12 : memref<!tpu.dma_semaphore, #tpu.memory_space<semaphore_mem>>) src(%arg9 : memref<128x128xf32, #tpu.memory_space<vmem>>) dst(%dma_wait3A_105 : memref<128x128xf32, #tpu.memory_space<hbm>>)
    %mul3A_106 = arith.constant 640 : i32
    %mul3A_107 = arith.muli %arg1, %mul3A_106 : i32
    %add3A_108 = arith.constant 256 : i32
    %add3A_109 = arith.addi %mul3A_107, %add3A_108 : i32
    "tpu.region"() ({
      %run_scoped3A = tpu.sem_alloc : memref<!tpu.dma_semaphore, #tpu.memory_space<semaphore_mem>>
      %dma_start3A_160 = arith.constant 0 : i32
      %dma_start3A_161 = tpu.memref_slice %arg11[%add3A_109, %dma_start3A_160] : memref<10240x128xf32, #tpu.memory_space<vmem_shared>> -> memref<128x128xf32, #tpu.memory_space<vmem_shared>>
      %dma_start3A_162 = arith.constant 0 : i32
      %dma_start3A_163 = tpu.memref_slice %arg11[%add3A_109, %dma_start3A_162] : memref<10240x128xf32, #tpu.memory_space<vmem_shared>> -> memref<128x128xf32, #tpu.memory_space<vmem_shared>>
      tpu.enqueue_dma source(%dma_start3A_163 : memref<128x128xf32, #tpu.memory_space<vmem_shared>>) target(%arg9 : memref<128x128xf32, #tpu.memory_space<vmem>>) target_semaphore(%run_scoped3A : memref<!tpu.dma_semaphore, #tpu.memory_space<semaphore_mem>>)
      %dma_wait3A_164 = arith.constant 0 : i32
      %dma_wait3A_165 = tpu.memref_slice %arg11[%add3A_109, %dma_wait3A_164] : memref<10240x128xf32, #tpu.memory_space<vmem_shared>> -> memref<128x128xf32, #tpu.memory_space<vmem_shared>>
      %dma_wait3A_166 = arith.constant 0 : i32
      %dma_wait3A_167 = tpu.memref_slice %arg11[%add3A_109, %dma_wait3A_166] : memref<10240x128xf32, #tpu.memory_space<vmem_shared>> -> memref<128x128xf32, #tpu.memory_space<vmem_shared>>
      tpu.wait_dma2 semaphore(%run_scoped3A : memref<!tpu.dma_semaphore, #tpu.memory_space<semaphore_mem>>) src(%dma_wait3A_167 : memref<128x128xf32, #tpu.memory_space<vmem_shared>>) dst(%arg9 : memref<128x128xf32, #tpu.memory_space<vmem>>)
      tpu.yield
    }) : () -> ()
    %add3A_110 = arith.constant 256 : i32
    %add3A_111 = arith.addi %add3A_80, %add3A_110 : i32
    %dma_start3A_112 = arith.constant 0 : i32
    %dma_start3A_113 = tpu.memref_slice %arg6[%add3A_111, %dma_start3A_112] : memref<20480x128xf32, #tpu.memory_space<hbm>> -> memref<128x128xf32, #tpu.memory_space<hbm>>
    %dma_start3A_114 = arith.constant 0 : i32
    %dma_start3A_115 = tpu.memref_slice %arg6[%add3A_111, %dma_start3A_114] : memref<20480x128xf32, #tpu.memory_space<hbm>> -> memref<128x128xf32, #tpu.memory_space<hbm>>
    tpu.enqueue_dma source(%arg9 : memref<128x128xf32, #tpu.memory_space<vmem>>) target(%dma_start3A_115 : memref<128x128xf32, #tpu.memory_space<hbm>>) target_semaphore(%arg12 : memref<!tpu.dma_semaphore, #tpu.memory_space<semaphore_mem>>)
    %add3A_116 = arith.constant 128 : i32
    %add3A_117 = arith.addi %add3A_80, %add3A_116 : i32
    %dma_wait3A_118 = arith.constant 0 : i32
    %dma_wait3A_119 = tpu.memref_slice %arg6[%add3A_117, %dma_wait3A_118] : memref<20480x128xf32, #tpu.memory_space<hbm>> -> memref<128x128xf32, #tpu.memory_space<hbm>>
    %dma_wait3A_120 = arith.constant 0 : i32
    %dma_wait3A_121 = tpu.memref_slice %arg6[%add3A_117, %dma_wait3A_120] : memref<20480x128xf32, #tpu.memory_space<hbm>> -> memref<128x128xf32, #tpu.memory_space<hbm>>
    tpu.wait_dma2 semaphore(%arg13 : memref<!tpu.dma_semaphore, #tpu.memory_space<semaphore_mem>>) src(%arg10 : memref<128x128xf32, #tpu.memory_space<vmem>>) dst(%dma_wait3A_121 : memref<128x128xf32, #tpu.memory_space<hbm>>)
    %mul3A_122 = arith.constant 640 : i32
    %mul3A_123 = arith.muli %arg1, %mul3A_122 : i32
    %add3A_124 = arith.constant 384 : i32
    %add3A_125 = arith.addi %mul3A_123, %add3A_124 : i32
    "tpu.region"() ({
      %run_scoped3A = tpu.sem_alloc : memref<!tpu.dma_semaphore, #tpu.memory_space<semaphore_mem>>
      %dma_start3A_160 = arith.constant 0 : i32
      %dma_start3A_161 = tpu.memref_slice %arg11[%add3A_125, %dma_start3A_160] : memref<10240x128xf32, #tpu.memory_space<vmem_shared>> -> memref<128x128xf32, #tpu.memory_space<vmem_shared>>
      %dma_start3A_162 = arith.constant 0 : i32
      %dma_start3A_163 = tpu.memref_slice %arg11[%add3A_125, %dma_start3A_162] : memref<10240x128xf32, #tpu.memory_space<vmem_shared>> -> memref<128x128xf32, #tpu.memory_space<vmem_shared>>
      tpu.enqueue_dma source(%dma_start3A_163 : memref<128x128xf32, #tpu.memory_space<vmem_shared>>) target(%arg10 : memref<128x128xf32, #tpu.memory_space<vmem>>) target_semaphore(%run_scoped3A : memref<!tpu.dma_semaphore, #tpu.memory_space<semaphore_mem>>)
      %dma_wait3A_164 = arith.constant 0 : i32
      %dma_wait3A_165 = tpu.memref_slice %arg11[%add3A_125, %dma_wait3A_164] : memref<10240x128xf32, #tpu.memory_space<vmem_shared>> -> memref<128x128xf32, #tpu.memory_space<vmem_shared>>
      %dma_wait3A_166 = arith.constant 0 : i32
      %dma_wait3A_167 = tpu.memref_slice %arg11[%add3A_125, %dma_wait3A_166] : memref<10240x128xf32, #tpu.memory_space<vmem_shared>> -> memref<128x128xf32, #tpu.memory_space<vmem_shared>>
      tpu.wait_dma2 semaphore(%run_scoped3A : memref<!tpu.dma_semaphore, #tpu.memory_space<semaphore_mem>>) src(%dma_wait3A_167 : memref<128x128xf32, #tpu.memory_space<vmem_shared>>) dst(%arg10 : memref<128x128xf32, #tpu.memory_space<vmem>>)
      tpu.yield
    }) : () -> ()
    %add3A_126 = arith.constant 384 : i32
    %add3A_127 = arith.addi %add3A_80, %add3A_126 : i32
    %dma_start3A_128 = arith.constant 0 : i32
    %dma_start3A_129 = tpu.memref_slice %arg6[%add3A_127, %dma_start3A_128] : memref<20480x128xf32, #tpu.memory_space<hbm>> -> memref<128x128xf32, #tpu.memory_space<hbm>>
    %dma_start3A_130 = arith.constant 0 : i32
    %dma_start3A_131 = tpu.memref_slice %arg6[%add3A_127, %dma_start3A_130] : memref<20480x128xf32, #tpu.memory_space<hbm>> -> memref<128x128xf32, #tpu.memory_space<hbm>>
    tpu.enqueue_dma source(%arg10 : memref<128x128xf32, #tpu.memory_space<vmem>>) target(%dma_start3A_131 : memref<128x128xf32, #tpu.memory_space<hbm>>) target_semaphore(%arg13 : memref<!tpu.dma_semaphore, #tpu.memory_space<semaphore_mem>>)
    %add3A_132 = arith.constant 256 : i32
    %add3A_133 = arith.addi %add3A_80, %add3A_132 : i32
    %dma_wait3A_134 = arith.constant 0 : i32
    %dma_wait3A_135 = tpu.memref_slice %arg6[%add3A_133, %dma_wait3A_134] : memref<20480x128xf32, #tpu.memory_space<hbm>> -> memref<128x128xf32, #tpu.memory_space<hbm>>
    %dma_wait3A_136 = arith.constant 0 : i32
    %dma_wait3A_137 = tpu.memref_slice %arg6[%add3A_133, %dma_wait3A_136] : memref<20480x128xf32, #tpu.memory_space<hbm>> -> memref<128x128xf32, #tpu.memory_space<hbm>>
    tpu.wait_dma2 semaphore(%arg12 : memref<!tpu.dma_semaphore, #tpu.memory_space<semaphore_mem>>) src(%arg9 : memref<128x128xf32, #tpu.memory_space<vmem>>) dst(%dma_wait3A_137 : memref<128x128xf32, #tpu.memory_space<hbm>>)
    %mul3A_138 = arith.constant 640 : i32
    %mul3A_139 = arith.muli %arg1, %mul3A_138 : i32
    %add3A_140 = arith.constant 512 : i32
    %add3A_141 = arith.addi %mul3A_139, %add3A_140 : i32
    "tpu.region"() ({
      %run_scoped3A = tpu.sem_alloc : memref<!tpu.dma_semaphore, #tpu.memory_space<semaphore_mem>>
      %dma_start3A_160 = arith.constant 0 : i32
      %dma_start3A_161 = tpu.memref_slice %arg11[%add3A_141, %dma_start3A_160] : memref<10240x128xf32, #tpu.memory_space<vmem_shared>> -> memref<128x128xf32, #tpu.memory_space<vmem_shared>>
      %dma_start3A_162 = arith.constant 0 : i32
      %dma_start3A_163 = tpu.memref_slice %arg11[%add3A_141, %dma_start3A_162] : memref<10240x128xf32, #tpu.memory_space<vmem_shared>> -> memref<128x128xf32, #tpu.memory_space<vmem_shared>>
      tpu.enqueue_dma source(%dma_start3A_163 : memref<128x128xf32, #tpu.memory_space<vmem_shared>>) target(%arg9 : memref<128x128xf32, #tpu.memory_space<vmem>>) target_semaphore(%run_scoped3A : memref<!tpu.dma_semaphore, #tpu.memory_space<semaphore_mem>>)
      %dma_wait3A_164 = arith.constant 0 : i32
      %dma_wait3A_165 = tpu.memref_slice %arg11[%add3A_141, %dma_wait3A_164] : memref<10240x128xf32, #tpu.memory_space<vmem_shared>> -> memref<128x128xf32, #tpu.memory_space<vmem_shared>>
      %dma_wait3A_166 = arith.constant 0 : i32
      %dma_wait3A_167 = tpu.memref_slice %arg11[%add3A_141, %dma_wait3A_166] : memref<10240x128xf32, #tpu.memory_space<vmem_shared>> -> memref<128x128xf32, #tpu.memory_space<vmem_shared>>
      tpu.wait_dma2 semaphore(%run_scoped3A : memref<!tpu.dma_semaphore, #tpu.memory_space<semaphore_mem>>) src(%dma_wait3A_167 : memref<128x128xf32, #tpu.memory_space<vmem_shared>>) dst(%arg9 : memref<128x128xf32, #tpu.memory_space<vmem>>)
      tpu.yield
    }) : () -> ()
    %add3A_142 = arith.constant 512 : i32
    %add3A_143 = arith.addi %add3A_80, %add3A_142 : i32
    %dma_start3A_144 = arith.constant 0 : i32
    %dma_start3A_145 = tpu.memref_slice %arg6[%add3A_143, %dma_start3A_144] : memref<20480x128xf32, #tpu.memory_space<hbm>> -> memref<128x128xf32, #tpu.memory_space<hbm>>
    %dma_start3A_146 = arith.constant 0 : i32
    %dma_start3A_147 = tpu.memref_slice %arg6[%add3A_143, %dma_start3A_146] : memref<20480x128xf32, #tpu.memory_space<hbm>> -> memref<128x128xf32, #tpu.memory_space<hbm>>
    tpu.enqueue_dma source(%arg9 : memref<128x128xf32, #tpu.memory_space<vmem>>) target(%dma_start3A_147 : memref<128x128xf32, #tpu.memory_space<hbm>>) target_semaphore(%arg12 : memref<!tpu.dma_semaphore, #tpu.memory_space<semaphore_mem>>)
    %add3A_148 = arith.constant 384 : i32
    %add3A_149 = arith.addi %add3A_80, %add3A_148 : i32
    %dma_wait3A_150 = arith.constant 0 : i32
    %dma_wait3A_151 = tpu.memref_slice %arg6[%add3A_149, %dma_wait3A_150] : memref<20480x128xf32, #tpu.memory_space<hbm>> -> memref<128x128xf32, #tpu.memory_space<hbm>>
    %dma_wait3A_152 = arith.constant 0 : i32
    %dma_wait3A_153 = tpu.memref_slice %arg6[%add3A_149, %dma_wait3A_152] : memref<20480x128xf32, #tpu.memory_space<hbm>> -> memref<128x128xf32, #tpu.memory_space<hbm>>
    tpu.wait_dma2 semaphore(%arg13 : memref<!tpu.dma_semaphore, #tpu.memory_space<semaphore_mem>>) src(%arg10 : memref<128x128xf32, #tpu.memory_space<vmem>>) dst(%dma_wait3A_153 : memref<128x128xf32, #tpu.memory_space<hbm>>)
    %add3A_154 = arith.constant 512 : i32
    %add3A_155 = arith.addi %add3A_80, %add3A_154 : i32
    %dma_wait3A_156 = arith.constant 0 : i32
    %dma_wait3A_157 = tpu.memref_slice %arg6[%add3A_155, %dma_wait3A_156] : memref<20480x128xf32, #tpu.memory_space<hbm>> -> memref<128x128xf32, #tpu.memory_space<hbm>>
    %dma_wait3A_158 = arith.constant 0 : i32
    %dma_wait3A_159 = tpu.memref_slice %arg6[%add3A_155, %dma_wait3A_158] : memref<20480x128xf32, #tpu.memory_space<hbm>> -> memref<128x128xf32, #tpu.memory_space<hbm>>
    tpu.wait_dma2 semaphore(%arg12 : memref<!tpu.dma_semaphore, #tpu.memory_space<semaphore_mem>>) src(%arg9 : memref<128x128xf32, #tpu.memory_space<vmem>>) dst(%dma_wait3A_159 : memref<128x128xf32, #tpu.memory_space<hbm>>)
    return
  }
}

module attributes {stable_mosaic.version = 14 : i64} {
  func.func @_pre_body(%arg0: i32, %arg1: memref<32x1280xf32, #tpu.memory_space<vmem>>, %arg2: memref<1280x128xf32, #tpu.memory_space<vmem>>, %arg3: memref<1280x128xf32, #tpu.memory_space<vmem>>, %arg4: memref<1280x1xf32, #tpu.memory_space<vmem>>) attributes {dimension_semantics = [#tpu.dimension_semantics<arbitrary>], iteration_bounds = array<i64: 8>, scalar_prefetch = 0 : i64, scratch_operands = 0 : i64, tpu.core_type = #tpu.core_type<tc>, window_params = [{transform_indices = @transform_0, window_bounds = array<i64: 32, 1280>}, {transform_indices = @transform_1, window_bounds = array<i64: 1280, 128>}, {transform_indices = @transform_2, window_bounds = array<i64: 1280, 128>}, {transform_indices = @transform_3, window_bounds = array<i64: 1280, 1>}]} {
    %get3A = arith.constant 0 : index
    %get3A_0 = arith.constant 0 : index
    %get3A_1 = vector.load %arg1[%get3A, %get3A_0] : memref<32x1280xf32, #tpu.memory_space<vmem>>, vector<32x1280xf32>
    %reduce_sum3A = arith.constant dense<0.000000e+00> : vector<1280xf32>
    %reduce_sum3A_2 = vector.multi_reduction <add>, %get3A_1, %reduce_sum3A [0] : vector<32x1280xf32> to vector<1280xf32>
    %gt3A = arith.constant 0.000000e+00 : f32
    %gt3A_3 = vector.broadcast %gt3A : f32 to vector<1280xf32>
    %gt3A_4 = arith.cmpf ogt, %reduce_sum3A_2, %gt3A_3 : vector<1280xf32>
    %rsqrt3A = math.rsqrt %reduce_sum3A_2 : vector<1280xf32>
    %jit3A = arith.constant 0.000000e+00 : f32
    %broadcast_in_dim3A = vector.broadcast %jit3A : f32 to vector<1280xf32>
    %select_n3A = arith.select %gt3A_4, %rsqrt3A, %broadcast_in_dim3A : vector<1280xi1>, vector<1280xf32>
    %broadcast_in_dim3A_5 = vector.shape_cast %select_n3A : vector<1280xf32> to vector<1280x1xf32>
    %get3A_6 = arith.constant 0 : index
    %get3A_7 = arith.constant 0 : index
    %get3A_8 = vector.load %arg2[%get3A_6, %get3A_7] : memref<1280x128xf32, #tpu.memory_space<vmem>>, vector<1280x128xf32>
    %mul3A = vector.broadcast %broadcast_in_dim3A_5 : vector<1280x1xf32> to vector<1280x128xf32>
    %mul3A_9 = arith.mulf %mul3A, %get3A_8 : vector<1280x128xf32>
    %swap3A = arith.constant 0 : index
    %swap3A_10 = arith.constant 0 : index
    %swap3A_11 = vector.load %arg3[%swap3A, %swap3A_10] : memref<1280x128xf32, #tpu.memory_space<vmem>>, vector<1280x128xf32>
    tpu.vector_store %arg3[%swap3A, %swap3A_10], %mul3A_9 {strides = array<i32>} : memref<1280x128xf32, #tpu.memory_space<vmem>>, vector<1280x128xf32>,
    %broadcast_in_dim3A_12 = vector.shape_cast %select_n3A : vector<1280xf32> to vector<1280x1xf32>
    %swap3A_13 = arith.constant 0 : index
    %swap3A_14 = arith.constant 0 : index
    %swap3A_15 = vector.load %arg4[%swap3A_13, %swap3A_14] : memref<1280x1xf32, #tpu.memory_space<vmem>>, vector<1280x1xf32>
    tpu.vector_store %arg4[%swap3A_13, %swap3A_14], %broadcast_in_dim3A_12 {strides = array<i32>} : memref<1280x1xf32, #tpu.memory_space<vmem>>, vector<1280x1xf32>,
    return
  }
  func.func @transform_0(%arg0: i32) -> (i32, i32) {
    %c0_i32 = arith.constant 0 : i32
    %c0_i32_0 = arith.constant 0 : i32
    return %c0_i32, %arg0 : i32, i32
  }
  func.func @transform_1(%arg0: i32) -> (i32, i32) {
    %c0_i32 = arith.constant 0 : i32
    %c0_i32_0 = arith.constant 0 : i32
    return %arg0, %c0_i32 : i32, i32
  }
  func.func @transform_2(%arg0: i32) -> (i32, i32) {
    %c0_i32 = arith.constant 0 : i32
    %c0_i32_0 = arith.constant 0 : i32
    return %arg0, %c0_i32 : i32, i32
  }
  func.func @transform_3(%arg0: i32) -> (i32, i32) {
    %c0_i32 = arith.constant 0 : i32
    %c0_i32_0 = arith.constant 0 : i32
    return %arg0, %c0_i32 : i32, i32
  }
}

module attributes {stable_mosaic.version = 14 : i64} {
  func.func @_hop_body(%arg0: i32, %arg1: memref<1000x128xf32, #tpu.memory_space<vmem>>, %arg2: memref<1024x128xf32, #tpu.memory_space<vmem>>, %arg3: memref<1000x128xf32, #tpu.memory_space<vmem>>) attributes {dimension_semantics = [#tpu.dimension_semantics<arbitrary>], iteration_bounds = array<i64: 10>, scalar_prefetch = 0 : i64, scratch_operands = 0 : i64, tpu.core_type = #tpu.core_type<tc>, window_params = [{transform_indices = @transform_0, window_bounds = array<i64: 1000, 128>}, {pipeline_mode = #tpu.pipeline_mode<synchronous>, transform_indices = @transform_1, window_bounds = array<i64: 1024, 128>}, {transform_indices = @transform_2, window_bounds = array<i64: 1000, 128>}]} {
    %get3A = arith.constant 0 : index
    %get3A_0 = arith.constant 0 : index
    %get3A_1 = vector.load %arg1[%get3A, %get3A_0] : memref<1000x128xf32, #tpu.memory_space<vmem>>, vector<1000x128xf32>
    %get3A_2 = arith.constant 0 : index
    %get3A_3 = arith.constant 0 : index
    %get3A_4 = vector.load %arg2[%get3A_2, %get3A_3] : memref<1024x128xf32, #tpu.memory_space<vmem>>, vector<1024x128xf32>
    %dot_general3A = arith.constant dense<0.000000e+00> : vector<1000x1024xf32>
    %dot_general3A_5 = tpu.matmul %get3A_1, %get3A_4, %dot_general3A {dimension_numbers = #tpu.dot_dimension_numbers<[1], [1], [0], [0], [0, 0, 1, 0], [], []>, transpose_lhs_hint = false} : vector<1000x128xf32>, vector<1024x128xf32>, vector<1000x1024xf32> -> vector<1000x1024xf32>
    %mul3A = arith.constant 1.000000e+00 : f32
    %mul3A_6 = vector.broadcast %mul3A : f32 to vector<1000x1024xf32>
    %mul3A_7 = arith.mulf %mul3A_6, %dot_general3A_5 : vector<1000x1024xf32>
    %reduce_max3A = arith.constant dense<0xFF800000> : vector<1000xf32>
    %reduce_max3A_8 = vector.multi_reduction <maximumf>, %mul3A_7, %reduce_max3A [1] : vector<1000x1024xf32> to vector<1000xf32>
    %broadcast_in_dim3A = vector.shape_cast %reduce_max3A_8 : vector<1000xf32> to vector<1000x1xf32>
    %sub3A = vector.broadcast %broadcast_in_dim3A : vector<1000x1xf32> to vector<1000x1024xf32>
    %sub3A_9 = arith.subf %mul3A_7, %sub3A : vector<1000x1024xf32>
    %exp3A = math.exp %sub3A_9 : vector<1000x1024xf32>
    %reduce_sum3A = arith.constant dense<0.000000e+00> : vector<1000xf32>
    %reduce_sum3A_10 = vector.multi_reduction <add>, %exp3A, %reduce_sum3A [1] : vector<1000x1024xf32> to vector<1000xf32>
    %broadcast_in_dim3A_11 = vector.shape_cast %reduce_sum3A_10 : vector<1000xf32> to vector<1000x1xf32>
    %div3A = vector.broadcast %broadcast_in_dim3A_11 : vector<1000x1xf32> to vector<1000x1024xf32>
    %div3A_12 = arith.divf %exp3A, %div3A : vector<1000x1024xf32>
    %dot_general3A_13 = arith.constant dense<0.000000e+00> : vector<1000x128xf32>
    %dot_general3A_14 = tpu.matmul %div3A_12, %get3A_4, %dot_general3A_13 {dimension_numbers = #tpu.dot_dimension_numbers<[1], [0], [0], [1], [0, 0, 1, 1], [], []>, transpose_lhs_hint = false} : vector<1000x1024xf32>, vector<1024x128xf32>, vector<1000x128xf32> -> vector<1000x128xf32>
    %swap3A = arith.constant 0 : index
    %swap3A_15 = arith.constant 0 : index
    %swap3A_16 = vector.load %arg3[%swap3A, %swap3A_15] : memref<1000x128xf32, #tpu.memory_space<vmem>>, vector<1000x128xf32>
    tpu.vector_store %arg3[%swap3A, %swap3A_15], %dot_general3A_14 {strides = array<i32>} : memref<1000x128xf32, #tpu.memory_space<vmem>>, vector<1000x128xf32>,
    return
  }
  func.func @transform_0(%arg0: i32) -> (i32, i32) {
    %c0_i32 = arith.constant 0 : i32
    %c0_i32_0 = arith.constant 0 : i32
    return %arg0, %c0_i32 : i32, i32
  }
  func.func @transform_1(%arg0: i32) -> (i32, i32) {
    %c0_i32 = arith.constant 0 : i32
    %c0_i32_0 = arith.constant 0 : i32
    %c0_i32_1 = arith.constant 0 : i32
    return %c0_i32, %c0_i32_0 : i32, i32
  }
  func.func @transform_2(%arg0: i32) -> (i32, i32) {
    %c0_i32 = arith.constant 0 : i32
    %c0_i32_0 = arith.constant 0 : i32
    return %arg0, %c0_i32 : i32, i32
  }
}

module attributes {stable_mosaic.version = 14 : i64} {
  func.func @_comb_body(%arg0: i32, %arg1: memref<1000x128xf32, #tpu.memory_space<vmem>>, %arg2: memref<1000x128xf32, #tpu.memory_space<vmem>>, %arg3: memref<1000x1xf32, #tpu.memory_space<vmem>>, %arg4: memref<2x1000x128xf32, #tpu.memory_space<vmem>>, %arg5: memref<1x128xf32, #tpu.memory_space<vmem>>, %arg6: memref<1x128xf32, #tpu.memory_space<vmem>>, %arg7: memref<1000x128xf32, #tpu.memory_space<vmem>>) attributes {dimension_semantics = [#tpu.dimension_semantics<arbitrary>], iteration_bounds = array<i64: 10>, scalar_prefetch = 0 : i64, scratch_operands = 0 : i64, tpu.core_type = #tpu.core_type<tc>, window_params = [{transform_indices = @transform_0, window_bounds = array<i64: 1000, 128>}, {transform_indices = @transform_1, window_bounds = array<i64: 1000, 128>}, {transform_indices = @transform_2, window_bounds = array<i64: 1000, 1>}, {transform_indices = @transform_3, window_bounds = array<i64: 2, 1000, 128>}, {pipeline_mode = #tpu.pipeline_mode<synchronous>, transform_indices = @transform_4, window_bounds = array<i64: 1, 128>}, {pipeline_mode = #tpu.pipeline_mode<synchronous>, transform_indices = @transform_5, window_bounds = array<i64: 1, 128>}, {transform_indices = @transform_6, window_bounds = array<i64: 1000, 128>}]} {
    %get3A = arith.constant 0 : index
    %get3A_0 = arith.constant 0 : index
    %get3A_1 = vector.load %arg1[%get3A, %get3A_0] : memref<1000x128xf32, #tpu.memory_space<vmem>>, vector<1000x128xf32>
    %get3A_2 = arith.constant 0 : index
    %get3A_3 = arith.constant 0 : index
    %get3A_4 = vector.load %arg2[%get3A_2, %get3A_3] : memref<1000x128xf32, #tpu.memory_space<vmem>>, vector<1000x128xf32>
    %get3A_5 = arith.constant 0 : index
    %get3A_6 = arith.constant 0 : index
    %get3A_7 = vector.load %arg3[%get3A_5, %get3A_6] : memref<1000x1xf32, #tpu.memory_space<vmem>>, vector<1000x1xf32>
    %get3A_8 = arith.constant 0 : index
    %get3A_9 = arith.constant 0 : index
    %get3A_10 = arith.constant 0 : index
    %get3A_11 = vector.load %arg4[%get3A_8, %get3A_9, %get3A_10] : memref<2x1000x128xf32, #tpu.memory_space<vmem>>, vector<1x1000x128xf32>
    %get3A_12 = vector.shape_cast %get3A_11 : vector<1x1000x128xf32> to vector<1000x128xf32>
    %get3A_13 = arith.constant 1 : index
    %get3A_14 = arith.constant 0 : index
    %get3A_15 = arith.constant 0 : index
    %get3A_16 = vector.load %arg4[%get3A_13, %get3A_14, %get3A_15] : memref<2x1000x128xf32, #tpu.memory_space<vmem>>, vector<1x1000x128xf32>
    %get3A_17 = vector.shape_cast %get3A_16 : vector<1x1000x128xf32> to vector<1000x128xf32>
    %add3A = arith.addf %get3A_12, %get3A_17 : vector<1000x128xf32>
    %mul3A = vector.broadcast %get3A_7 : vector<1000x1xf32> to vector<1000x128xf32>
    %mul3A_18 = arith.mulf %mul3A, %add3A : vector<1000x128xf32>
    %sub3A = arith.subf %get3A_1, %mul3A_18 : vector<1000x128xf32>
    %mul3A_19 = arith.constant 5.000000e-01 : f32
    %mul3A_20 = vector.broadcast %mul3A_19 : f32 to vector<1000x128xf32>
    %mul3A_21 = arith.mulf %mul3A_20, %get3A_1 : vector<1000x128xf32>
    %mul3A_22 = arith.constant 2.000000e-01 : f32
    %mul3A_23 = vector.broadcast %mul3A_22 : f32 to vector<1000x128xf32>
    %mul3A_24 = arith.mulf %mul3A_23, %sub3A : vector<1000x128xf32>
    %sub3A_25 = arith.subf %get3A_4, %mul3A_24 : vector<1000x128xf32>
    %mul3A_26 = arith.constant 5.000000e-01 : f32
    %mul3A_27 = vector.broadcast %mul3A_26 : f32 to vector<1000x128xf32>
    %mul3A_28 = arith.mulf %mul3A_27, %sub3A_25 : vector<1000x128xf32>
    %add3A_29 = arith.addf %mul3A_21, %mul3A_28 : vector<1000x128xf32>
    %reduce_sum3A = arith.constant dense<0.000000e+00> : vector<1000xf32>
    %reduce_sum3A_30 = vector.multi_reduction <add>, %add3A_29, %reduce_sum3A [1] : vector<1000x128xf32> to vector<1000xf32>
    %broadcast_in_dim3A = vector.shape_cast %reduce_sum3A_30 : vector<1000xf32> to vector<1000x1xf32>
    %div3A = arith.constant 1.280000e+02 : f32
    %div3A_31 = vector.broadcast %div3A : f32 to vector<1000x1xf32>
    %div3A_32 = arith.divf %broadcast_in_dim3A, %div3A_31 : vector<1000x1xf32>
    %sub3A_33 = vector.broadcast %div3A_32 : vector<1000x1xf32> to vector<1000x128xf32>
    %sub3A_34 = arith.subf %add3A_29, %sub3A_33 : vector<1000x128xf32>
    %integer_pow3A = arith.mulf %sub3A_34, %sub3A_34 : vector<1000x128xf32>
    %reduce_sum3A_35 = arith.constant dense<0.000000e+00> : vector<1000xf32>
    %reduce_sum3A_36 = vector.multi_reduction <add>, %integer_pow3A, %reduce_sum3A_35 [1] : vector<1000x128xf32> to vector<1000xf32>
    %broadcast_in_dim3A_37 = vector.shape_cast %reduce_sum3A_36 : vector<1000xf32> to vector<1000x1xf32>
    %div3A_38 = arith.constant 1.280000e+02 : f32
    %div3A_39 = vector.broadcast %div3A_38 : f32 to vector<1000x1xf32>
    %div3A_40 = arith.divf %broadcast_in_dim3A_37, %div3A_39 : vector<1000x1xf32>
    %sub3A_41 = vector.broadcast %div3A_32 : vector<1000x1xf32> to vector<1000x128xf32>
    %sub3A_42 = arith.subf %add3A_29, %sub3A_41 : vector<1000x128xf32>
    %add3A_43 = arith.constant 9.99999974E-6 : f32
    %add3A_44 = vector.broadcast %add3A_43 : f32 to vector<1000x1xf32>
    %add3A_45 = arith.addf %div3A_40, %add3A_44 : vector<1000x1xf32>
    %rsqrt3A = math.rsqrt %add3A_45 : vector<1000x1xf32>
    %mul3A_46 = vector.broadcast %rsqrt3A : vector<1000x1xf32> to vector<1000x128xf32>
    %mul3A_47 = arith.mulf %sub3A_42, %mul3A_46 : vector<1000x128xf32>
    %get3A_48 = arith.constant 0 : index
    %get3A_49 = arith.constant 0 : index
    %get3A_50 = vector.load %arg5[%get3A_48, %get3A_49] : memref<1x128xf32, #tpu.memory_space<vmem>>, vector<1x128xf32>
    %mul3A_51 = vector.broadcast %get3A_50 : vector<1x128xf32> to vector<1000x128xf32>
    %mul3A_52 = arith.mulf %mul3A_47, %mul3A_51 : vector<1000x128xf32>
    %get3A_53 = arith.constant 0 : index
    %get3A_54 = arith.constant 0 : index
    %get3A_55 = vector.load %arg6[%get3A_53, %get3A_54] : memref<1x128xf32, #tpu.memory_space<vmem>>, vector<1x128xf32>
    %add3A_56 = vector.broadcast %get3A_55 : vector<1x128xf32> to vector<1000x128xf32>
    %add3A_57 = arith.addf %mul3A_52, %add3A_56 : vector<1000x128xf32>
    %swap3A = arith.constant 0 : index
    %swap3A_58 = arith.constant 0 : index
    %swap3A_59 = vector.load %arg7[%swap3A, %swap3A_58] : memref<1000x128xf32, #tpu.memory_space<vmem>>, vector<1000x128xf32>
    tpu.vector_store %arg7[%swap3A, %swap3A_58], %add3A_57 {strides = array<i32>} : memref<1000x128xf32, #tpu.memory_space<vmem>>, vector<1000x128xf32>,
    return
  }
  func.func @transform_0(%arg0: i32) -> (i32, i32) {
    %c0_i32 = arith.constant 0 : i32
    %c0_i32_0 = arith.constant 0 : i32
    return %arg0, %c0_i32 : i32, i32
  }
  func.func @transform_1(%arg0: i32) -> (i32, i32) {
    %c0_i32 = arith.constant 0 : i32
    %c0_i32_0 = arith.constant 0 : i32
    return %arg0, %c0_i32 : i32, i32
  }
  func.func @transform_2(%arg0: i32) -> (i32, i32) {
    %c0_i32 = arith.constant 0 : i32
    %c0_i32_0 = arith.constant 0 : i32
    return %arg0, %c0_i32 : i32, i32
  }
  func.func @transform_3(%arg0: i32) -> (i32, i32, i32) {
    %c0_i32 = arith.constant 0 : i32
    %c0_i32_0 = arith.constant 0 : i32
    %c0_i32_1 = arith.constant 0 : i32
    return %c0_i32, %arg0, %c0_i32_0 : i32, i32, i32
  }
  func.func @transform_4(%arg0: i32) -> (i32, i32) {
    %c0_i32 = arith.constant 0 : i32
    %c0_i32_0 = arith.constant 0 : i32
    %c0_i32_1 = arith.constant 0 : i32
    return %c0_i32, %c0_i32_0 : i32, i32
  }
  func.func @transform_5(%arg0: i32) -> (i32, i32) {
    %c0_i32 = arith.constant 0 : i32
    %c0_i32_0 = arith.constant 0 : i32
    %c0_i32_1 = arith.constant 0 : i32
    return %c0_i32, %c0_i32_0 : i32, i32
  }
  func.func @transform_6(%arg0: i32) -> (i32, i32) {
    %c0_i32 = arith.constant 0 : i32
    %c0_i32_0 = arith.constant 0 : i32
    return %arg0, %c0_i32 : i32, i32
  }
}

</mosaic_0001>

<sc_bundles>
// kernel: kernel.10.cloned.1.call-start
scs
__scs_entry_jumppad:
0x0: {  	(pc) =	sbr.rel $0x88, $3  }
0x1: {  	(tag) =	ssettag $0x0;
	lr =	simm.s32 $0x1  }
0x2: {  	[smem:$0x3F9C] =	sst lr;
	_ =	strace $0xD0000000  }
0x3: {  	_ = 	snop  }
0x4: {  	_ = 	snop  }
0x5: {  	_ = 	snop  }
0x6: {  	_ = 	snop  }
0x7: {  	_ = 	snop  }
__scs_overlays_trampoline_lowered:
0x8: {  	[smem:$0x3FAB] =	sst s0  }
0x9: {  	[smem:$0x3FAC] =	sst s1  }
0xa: {  	[smem:$0x3FAD] =	sst s2  }
0xb: {  	[smem:$0x3FAE] =	sst s3  }
0xc: {  	[smem:$0x3FAF] =	sst s4  }
0xd: {  	[smem:$0x3FB0] =	sst s5  }
0xe: {  	[smem:$0x3FB1] =	sst s6  }
0xf: {  	[smem:$0x3FB2] =	sst s7  }
0x10: {  	[smem:$0x3FB3] =	sst s8  }
0x11: {  	[smem:$0x3FB4] =	sst s9;
	s0 =	simm.s32 @!p0 $0x0  }
0x12: {  	s1 =	sld [smem:$0x3F9A];
	s0 =	simm.s32 @p0 $0x1  }
0x13: {  	[smem:$0x3FB5] =	sst s0;
	s0 =	simm.s32 @!p1 $0x0  }
0x14: {  	s2 =	sld [smem:$0x3F99];
	s0 =	simm.s32 @p1 $0x1  }
0x15: {  	[smem:$0x3FB6] =	sst s0;
	s0 =	simm.s32 @!p2 $0x0  }
0x16: {  	s3 =	sld [smem:$0x3FDB];
	s0 =	simm.s32 @p2 $0x1  }
0x17: {  	s4 =	simm.s32 $0x1BF5;
	[smem:$0x3FB8] =	sst s0  }
0x18: {  	s0 =	sld [smem:$0x3F9B];
	_ =	swait.ge [sflag:s4], $0x0  }
0x19: {  	s7 =	sld [smem:$0x3F9C]  }
0x1a: {  	s8 =	sadd.s32 $0xFFFFE003, lr  }
0x1b: {  	s9 =	sadd.s32 $0xFFFFFEF7, lr;
	s5 =	simm.s32 $0xFFFFFFFF;
	p2 =	slt.u32 s8, $0xFFFFF086  }
0x1c: {  	p1 =	slt.u32 s9, $0xF7A;
	s5 =	simm.s32 @!p2 $0x0  }
0x1d: {  	s5 =	simm.s32 @p1 $0x1;
	p0 =	seq.s32 s7, s2  }
0x1e: {  	s7 =	smul.u32 @!p0 $0xF7A, s2;
	p2 =	seq.s32 @!p0 s5, $0x0  }
0x1f: {  	s9 =	smul.u32 $0xF7A, s1;
	s8 =	simm.s32 @!p0 $0x1BF5;
	p2 =	por !p2, p0  }
0x20: {  	[sflag:s8] =	ssyncset.s32 @!p0 $0xFFFFF086;
	s6 =	sadd.s32 @!p0 s3, s7;
	s7 =	simm.s32 @!p0 $0x108  }
0x21: {  	s3 =	sadd.s32 s3, s9;
	s6 =	sadd.s32 @!p0 $0x88, s6;
	s7 =	simm.s32 @p2 $0x1082  }
0x22: {  	[simem:s7], [sflag:s8] =	dma.local @!p0 [hbm:s6], $0xF7A  }
0x23: {  	s9 =	sor.u32 $0xD0000000, s2;
	s6 =	simm.s32 $0x108;
	_ =	swait.ge @!p0 [sflag:s8], $0x0  }
0x24: {  	s3 =	sadd.s32 $0x88, s3;
	s6 =	simm.s32 @!p1 $0x1082;
	[sflag:s4] =	ssyncset.s32 $0xFFFFF086  }
0x25: {  	[simem:s6], [sflag:s4] =	dma.local [hbm:s3], $0xF7A  }
0x26: {  	[smem:$0x3F9C] =	sst s1;
	(tag) =	ssettag s2;
	_ =	strace s9  }
0x27: {  	s1 =	sld [smem:$0x3FAC]  }
0x28: {  	s2 =	sld [smem:$0x3FAD]  }
0x29: {  	s4 =	sld [smem:$0x3FAF]  }
0x2a: {  	p0 =	seq.s32 s5, $0x0;
	s5 =	sld [smem:$0x3FB0]  }
0x2b: {  	s6 =	sld [smem:$0x3FB1]  }
0x2c: {  	s7 =	sld [smem:$0x3FB2]  }
0x2d: {  	s3 =	simm.s32 $0x108;
	s8 =	sld [smem:$0x3FB3]  }
0x2e: {  	s3 =	simm.s32 @!p0 $0x1082;
	s9 =	sld [smem:$0x3FB4]  }
0x2f: {  	lr =	sadd.s32 s0, s3;
	s0 =	sld [smem:$0x3FAB]  }
0x30: {  	s3 =	sld [smem:$0x3FAE]  }
0x31: {  	[smem:$0x3FB7] =	sst s10  }
0x32: {  	s10 =	sld [smem:$0x3FB5];
	_ =	sdelay $0x3  }
0x33: {  	p0 =	seq.s32 s10, $0x1;
	s10 =	sld [smem:$0x3FB7];
	_ =	sdelay $0x3  }
0x34: {  	[smem:$0x3FB7] =	sst s10  }
0x35: {  	s10 =	sld [smem:$0x3FB6];
	_ =	sdelay $0x3  }
0x36: {  	p1 =	seq.s32 s10, $0x1;
	s10 =	sld [smem:$0x3FB7];
	_ =	sdelay $0x3  }
0x37: {  	[smem:$0x3FB7] =	sst s10  }
0x38: {  	s10 =	sld [smem:$0x3FB8]  }
0x39: {  	_ = 	snop;
	(pc) =	sbr.ind lr, $3  }
0x3a: {  	_ = 	snop  }
0x3b: {  	_ = 	snop  }
0x3c: {  	p2 =	seq.s32 s10, $0x1;
	s10 =	sld [smem:$0x3FB7]  }
0x3d: {  	_ =	shalt  }
0x3e: {  	_ =	shalt  }
0x3f: {  	_ =	shalt  }
0x40: {  	_ =	shalt  }
0x41: {  	_ =	shalt  }
0x42: {  	_ =	shalt  }
0x43: {  	_ =	shalt  }
0x44: {  	_ =	shalt  }
0x45: {  	_ =	shalt  }
0x46: {  	_ =	shalt  }
0x47: {  	_ =	shalt  }
0x48: {  	_ =	shalt  }
0x49: {  	_ =	shalt  }
0x4a: {  	_ =	shalt  }
0x4b: {  	_ =	shalt  }
0x4c: {  	_ =	shalt  }
0x4d: {  	_ =	shalt  }
0x4e: {  	_ =	shalt  }
0x4f: {  	_ =	shalt  }
0x50: {  	_ =	shalt  }
0x51: {  	_ =	shalt  }
0x52: {  	_ =	shalt  }
0x53: {  	_ =	shalt  }
0x54: {  	_ =	shalt  }
0x55: {  	_ =	shalt  }
0x56: {  	_ =	shalt  }
0x57: {  	_ =	shalt  }
0x58: {  	_ =	shalt  }
0x59: {  	_ =	shalt  }
0x5a: {  	_ =	shalt  }
0x5b: {  	_ =	shalt  }
0x5c: {  	_ =	shalt  }
0x5d: {  	_ =	shalt  }
0x5e: {  	_ =	shalt  }
0x5f: {  	_ =	shalt  }
0x60: {  	_ =	shalt  }
0x61: {  	_ =	shalt  }
0x62: {  	_ =	shalt  }
0x63: {  	_ =	shalt  }
0x64: {  	_ =	shalt  }
0x65: {  	_ =	shalt  }
0x66: {  	_ =	shalt  }
0x67: {  	_ =	shalt  }
0x68: {  	_ =	shalt  }
0x69: {  	_ =	shalt  }
0x6a: {  	_ =	shalt  }
0x6b: {  	_ =	shalt  }
0x6c: {  	_ =	shalt  }
0x6d: {  	_ =	shalt  }
0x6e: {  	_ =	shalt  }
0x6f: {  	_ =	shalt  }
0x70: {  	_ =	shalt  }
0x71: {  	_ =	shalt  }
0x72: {  	_ =	shalt  }
0x73: {  	_ =	shalt  }
0x74: {  	_ =	shalt  }
0x75: {  	_ =	shalt  }
0x76: {  	_ =	shalt  }
0x77: {  	_ =	shalt  }
0x78: {  	_ =	shalt  }
0x79: {  	_ =	shalt  }
0x7a: {  	_ =	shalt  }
0x7b: {  	_ =	shalt  }
0x7c: {  	_ =	shalt  }
0x7d: {  	_ =	shalt  }
0x7e: {  	_ =	shalt  }
0x7f: {  	_ =	shalt  }
0x80: {  	_ =	shalt  }
0x81: {  	_ =	shalt  }
0x82: {  	_ =	shalt  }
0x83: {  	_ =	shalt  }
0x84: {  	_ =	shalt  }
0x85: {  	_ =	shalt  }
0x86: {  	_ =	shalt  }
0x87: {  	_ =	shalt  }
.Lfunc_end0:
.L_simem_size_0:
called_computation.1_lowered:
.L_overlay_start_0:
0x88: {  	s2 =	sld [smem:$0x3FD9]  }
0x89: {  	s3 =	sld [smem:$0x3FFE];
	_ =	sdelay $0x1  }
0x8a: {  	s1 =	srdreg.scid  }
0x8b: {  	s0 =	sand.u32 $0x1, s1  }
0x8c: {  	s17 =	sshll.u32 s0, $0xA;
	s2 =	sadd.s32 s3, s2  }
0x8d: {  	s2 =	sadd.s32 s2, s17  }
0x8e: {  	[smem:$0x3FC3] =	sst s2  }
0x8f: {  	_ = 	snop  }
0x90: {  	s2 =	sld [smem:$0x3FD0];
	(tm) =	ssettm $0x1  }
0x91: {  	s18 =	sld [smem:$0x3FFB];
	_ =	sdelay $0x3  }
0x92: {  	_ =	strace s18  }
0x93: {  	s3 =	sld [smem:$0x3FFC];
	_ =	sdelay $0x3  }
0x94: {  	_ =	strace s3  }
0x95: {  	s3 =	sld [smem:$0x3FFD];
	_ =	sdelay $0x3  }
0x96: {  	_ =	strace s3  }
0x97: {  	_ =	strace $0x8FFFFFFF  }
0x98: {  	s19 =	sld [smem:$0x3FDB];
	_ =	sdelay $0x1  }
0x99: {  	s4 =	simm.s32 $_scs_section_size  }
0x9a: {  	s5 =	simm.s32 $_size__tile_overlayer_lowered;
	s6 =	simm.s32 $_tile_overlayer_lowered  }
0x9b: {  	s22 =	simm.s32 $0x1BFF;
	s21 =	sshll.u32 s6, $0x1;
	s3 =	sadd.s32 s4, s19  }
0x9c: {  	s7 =	simm.s32 $0x0;
	s20 =	sshll.u32 s5, $0x1;
	s5 =	sadd.s32 s21, s3  }
0x9d: {  	[timem:s7], [sflag:s22] =	dma.local [hbm:s5], s20  }
0x9e: {  	_ =	swait.ge [sflag:s22], s20  }
0x9f: {  	s4 =	ssub.s32 $0x0, s20;
	[sflag:s22] =	ssyncset.done $0x0  }
0xa0: {  	[sflag:s22] =	ssyncadd.s32 s4;
	_ =	sdelay $0x1  }
0xa1: {  	s23 =	simm.s32 $0x1B8B  }
0xa2: {  	_ =	swait.ge [sflag:s23], $0x1  }
0xa3: {  	[sflag:s23] =	ssyncset.done $0x0  }
0xa4: {  	s25 =	simm.s32 $0x1B8E;
	s24 =	sld [smem:$0x3FFE];
	[sflag:s23] =	ssyncadd.s32 $0xFFFFFFFF  }
0xa5: {  	s26 =	simm.s32 $execute0_lowered;
	[smem:$0x3FD2] =	sst s25  }
0xa6: {  	s5 =	sshll.u32 s26, $0x1;
	_ =	strace $0x80000049;
	[dreg:$0x1] =	wrdreg $0xFFFFFFFF  }
0xa7: {  	s28 =	simm.s32 $_size_execute0_lowered;
	s3 =	sadd.s32 s3, s5;
	[dreg:$0x0] =	wrdreg $0x0  }
0xa8: {  	s5 =	sshll.u32 s28, $0x1;
	[dreg:$0x2] =	wrdreg s3  }
0xa9: {  	[dreg:$0x3] =	wrdreg s5  }
0xaa: {  	[dreg:$0x4] =	wrdreg $0xC0  }
0xab: {  	_ =	task [dreg:s7], $0x5FFFF  }
0xac: {  	[dreg:$0x1] =	wrdreg $0xFFFFFFFF  }
0xad: {  	[dreg:$0x0] =	wrdreg $0x60  }
0xae: {  	[dreg:$0x2] =	wrdreg s24  }
0xaf: {  	[dreg:$0x3] =	wrdreg s2  }
0xb0: {  	[dreg:$0x4] =	wrdreg $0xA8000  }
0xb1: {  	[dreg:$0x5] =	wrdreg $0x9  }
0xb2: {  	_ =	task.clear_ibuf [dreg:s7], $0x6FFFF;
	_ =	strace $0x90000049  }
0xb3: {  	s29 =	simm.s32 $0x9;
	_ =	strace $0x8000004B  }
0xb4: {  	_ =	swait.ge [sflag:s29], $0x1  }
0xb5: {  	[sflag:s29] =	ssyncadd.s32 $0xFFFFFFFF  }
0xb6: {  	_ =	strace $0x9000004B  }
0xb7: {  	_ =	sfence  }
0xb8: {  	s30 =	sld [smem:$0x0];
	_ =	sdelay $0x2  }
0xb9: {  	s31 =	sshll.u32 s1, $0xD;
	s1 =	sshrl.u32 s1, $0x2  }
0xba: {  	s3 =	sand.u32 $0x4000, s31;
	s1 =	sadd.s32 s1, s30  }
0xbb: {  	s0 =	sor.u32 s3, s0;
	s1 =	sshll.u32 s1, $0x11  }
0xbc: {  	s0 =	sor.u32 s1, s0  }
0xbd: {  	s0 =	sadd.s32 $0x8F2B, s0  }
0xbe: {  	[sflag:s0] =	ssyncadd.remote.s32 $0x1  }
0xbf: {  	_ =	sfence.sel $0xFFFF  }
0xc0: {  	[dreg:$0x0] =	wrdreg $0xFFFFFFFF;
	(pc) =	sbr.abs _section_cstart, $3  }
0xc1: {  	[dreg:$0x1] =	wrdreg $0xFFFFFFFF  }
0xc2: {  	_ =	task.clear_ibuf [dreg:s7], $0x2FFFF;
	_ =	strace $0x9FFFFFFF  }
0xc3: {  	(tm) =	ssettm $0x7FFFFFFF  }
tec
execute0_lowered:
.L_overlay_start_1:
0x0: {  	(tag) =	ssettag $0x1  }
0x1: {  	s0 =	rddreg [dreg:$0x0];
	s1 =	srdreg.scid  }
0x2: {  	s7 =	stileid.u32;
	s3 =	rddreg [dreg:$0x2];
	s4 =	simm.s32 $0x0  }
0x3: {  	s21 =	simm.s32 $0x2800;
	s22 =	simm.s32 $0x5;
	s23 =	simm.s32 $0x1400  }
0x4: {  	s28 =	simm.s32 $0x1;
	s29 =	simm.s32 $0x3;
	s30 =	simm.s32 $0x2  }
0x5: {  	s31 =	simm.s32 $0x4;
	s1 =	sand.u32 $0x1, s1;
	s2 =	smul.u32 $0x280, s7  }
0x6: {  	[smem:$0x7FF] =	sst s4;
	s24 =	smul.u32 $0x50000, s7;
	s7 =	sshll.u32 s7, $0x2  }
0x7: {  	s5 =	smul.u32 $0x2800, s1;
	s6 =	ssub.s32 $0x2, s1;
	s1 =	sshll.u32 s1, $0x1  }
0x8: {  	s11 =	sadd.s32 $0x15800, s0;
	s12 =	sadd.s32 $0xB800, s0;
	s1 =	sor.u32 s1, s7  }
0x9: {  	_ =	strace $0x8000004A;
	s8 =	sshrl.u32 s6, $0x1;
	s25 =	smul.u32 $0x1400, s1  }
0xa: {  	s2 =	sadd.s32 s2, s5;
	s20 =	ssub.s32 s6, s8;
	s1 =	smul.u32 $0x280, s1  }
0xb: {  	s5 =	sadd.s32 $0x1F800, s0;
	s2 =	sshll.u32 s2, $0x4;
	s20 =	smax.u32 s20, $0x1  }
0xc: {  	s0 =	sadd.s32 s2, s0;
	s2 =	sshrl.u32 s24, $0x2;
	s13 =	sadd.s32 s11, s1  }
0xd: {  	s1 =	sadd.s32 s12, s1;
	s24 =	simm.s32 $0x80;
	[dreg:$0x4] =	wrdreg s13  }
0xe: {  	s6 =	sadd.s32 s2, s3;
	s2 =	sshrl.u32 s25, $0x3;
	[dreg:$0x5] =	wrdreg s1  }
0xf: {  	s15 =	sadd.s32 $0x47800, s0;
	s16 =	sadd.s32 $0x48000, s0;
	s17 =	sadd.s32 $0x48800, s0  }
0x10: {  	s18 =	sadd.s32 $0x49000, s0;
	s19 =	sadd.s32 $0x49800, s0;
	s25 =	simm.s32 $0x1480  }
0x11: {  	s1 =	simm.s32 $0x1300;
	s0 =	simm.s32 $0x1380;
	s7 =	sadd.s32 $0x4000, s6  }
0x12: {  	s8 =	sadd.s32 $0x8000, s6;
	s9 =	sadd.s32 $0xC000, s6;
	s26 =	sadd.s32 $0x280, s2  }
0x13: {  	s10 =	sadd.s32 $0x10000, s6;
	s2 =	sadd.s32 s11, s26;
	s14 =	sadd.s32 s12, s26  }
0x14: {  	s26 =	simm.s32 $0x6800;
	[dreg:$0x6] =	wrdreg s2;
	s2 =	simm.s32 $0x0  }
.LBB2_1:
0x15: {  	s11 =	rddreg [dreg:$0x1]  }
0x16: {  	[tilespmem:s21], [sflag:$0x5] =	stream.linear.gather [hbm4b:s11+s4], $0x4000, $0x38;
	[tilespmem:$0x1E800] =	vst v63  }
0x17: {  	_ =	swait.ge [sflag:s22], $0x4000  }
0x18: {  	[sflag:s22] =	ssyncset.done $0x0  }
0x19: {  	[sflag:s22] =	ssyncadd.s32 $0xFFFFC000  }
0x1a: {  	[spmem:s6] =	stream.linear.scatter [tilespmem:s21], [sflag:$0x5], $0x4000, $0x38;
	[tilespmem:$0x1E800] =	vst v63  }
0x1b: {  	_ =	swait.ge [sflag:s22], $0x4000  }
0x1c: {  	[sflag:s22] =	ssyncset.done $0x0  }
0x1d: {  	[sflag:s22] =	ssyncadd.s32 $0xFFFFC000  }
0x1e: {  	[spmem:s7] =	stream.linear.scatter [tilespmem:s21], [sflag:$0x5], $0x4000, $0x38;
	[tilespmem:$0x1E800] =	vst v63  }
0x1f: {  	_ =	swait.ge [sflag:s22], $0x4000  }
0x20: {  	[sflag:s22] =	ssyncset.done $0x0  }
0x21: {  	[sflag:s22] =	ssyncadd.s32 $0xFFFFC000  }
0x22: {  	[spmem:s8] =	stream.linear.scatter [tilespmem:s21], [sflag:$0x5], $0x4000, $0x38;
	[tilespmem:$0x1E800] =	vst v63  }
0x23: {  	_ =	swait.ge [sflag:s22], $0x4000  }
0x24: {  	[sflag:s22] =	ssyncset.done $0x0  }
0x25: {  	[sflag:s22] =	ssyncadd.s32 $0xFFFFC000  }
0x26: {  	[spmem:s9] =	stream.linear.scatter [tilespmem:s21], [sflag:$0x5], $0x4000, $0x38;
	[tilespmem:$0x1E800] =	vst v63  }
0x27: {  	_ =	swait.ge [sflag:s22], $0x4000  }
0x28: {  	[sflag:s22] =	ssyncset.done $0x0  }
0x29: {  	[sflag:s22] =	ssyncadd.s32 $0xFFFFC000  }
0x2a: {  	[spmem:s10] =	stream.linear.scatter [tilespmem:s21], [sflag:$0x5], $0x4000, $0x38;
	[tilespmem:$0x1E800] =	vst v63  }
0x2b: {  	_ =	swait.ge [sflag:s22], $0x4000  }
0x2c: {  	[sflag:s22] =	ssyncset.done $0x0  }
0x2d: {  	[sflag:s22] =	ssyncadd.s32 $0xFFFFC000  }
0x2e: {  	[bflag:$0x0] =	sbarrier.arrive $0xFFFF  }
0x2f: {  	s13 =	rddreg [dreg:$0x4]  }
0x30: {  	[tilespmem:s4], [sflag:$0x5] =	stream.linear.gather [hbm4b:s13+s4], $0x1400, $0x38;
	[tilespmem:$0x1E800] =	vst v63  }
0x31: {  	_ =	swait.ge [sflag:s22], $0x1400  }
0x32: {  	[sflag:s22] =	ssyncset.done $0x0  }
0x33: {  	s12 =	rddreg [dreg:$0x5];
	[sflag:s22] =	ssyncadd.s32 $0xFFFFEC00  }
0x34: {  	[tilespmem:s23], [sflag:$0x5] =	stream.linear.gather [hbm4b:s12+s4], $0x1400, $0x38;
	[tilespmem:$0x1E800] =	vst v63  }
0x35: {  	_ =	swait.ge [sflag:s22], $0x1400  }
0x36: {  	[sflag:s22] =	ssyncset.done $0x0  }
0x37: {  	[sflag:s22] =	ssyncadd.s32 $0xFFFFEC00  }
0x38: {  	[tilespmem:s21], [sflag:$0x1] =	stream.indirect.gather [hbm4b:s5+s24], $0x80, s23, s24, $0xb8;
	[tilespmem:$0x1E800] =	vst v63  }
0x39: {  	_ = 	snop  }
0x3a: {  	[tilespmem:s26], [sflag:$0x2] =	stream.indirect.gather [hbm4b:s5+s24], $0x80, s25, s24, $0xb8;
	[tilespmem:$0x1E800] =	vst v63  }
0x3b: {  	_ =	swait.ge [sflag:s28], $0x4000  }
0x3c: {  	[sflag:s28] =	ssyncset.done $0x0  }
0x3d: {  	s13 =	simm.s32 $0x0;
	[sflag:s28] =	ssyncadd.s32 $0xFFFFC000  }
0x3e: {  	[spmem:s3] =	stream.indirect.scatter.add.f32 [tilespmem:s21], [sflag:$0x3], $0x80, s13, s24, $0xb8;
	[tilespmem:$0x1E800] =	vst v63  }
0x3f: {  	_ =	swait.ge [sflag:s29], $0x4000  }
0x40: {  	[sflag:s29] =	ssyncset.done $0x0  }
0x41: {  	s12 =	simm.s32 $0x1500;
	[sflag:s29] =	ssyncadd.s32 $0xFFFFC000  }
0x42: {  	[tilespmem:s21], [sflag:$0x1] =	stream.indirect.gather [hbm4b:s5+s24], $0x80, s12, s24, $0xb8;
	[tilespmem:$0x1E800] =	vst v63  }
0x43: {  	_ =	swait.ge [sflag:s30], $0x4000  }
0x44: {  	[sflag:s30] =	ssyncset.done $0x0  }
0x45: {  	s13 =	simm.s32 $0x80;
	[sflag:s30] =	ssyncadd.s32 $0xFFFFC000  }
0x46: {  	[spmem:s3] =	stream.indirect.scatter.add.f32 [tilespmem:s26], [sflag:$0x4], $0x80, s13, s24, $0xb8;
	[tilespmem:$0x1E800] =	vst v63  }
0x47: {  	_ =	swait.ge [sflag:s31], $0x4000  }
0x48: {  	[sflag:s31] =	ssyncset.done $0x0  }
0x49: {  	s11 =	simm.s32 $0x400;
	s12 =	simm.s32 $0x1580;
	[sflag:s31] =	ssyncadd.s32 $0xFFFFC000  }
.LBB2_2:
0x4a: {  	[tilespmem:s26], [sflag:$0x2] =	stream.indirect.gather [hbm4b:s5+s24], $0x80, s12, s24, $0xb8;
	[tilespmem:$0x1E800] =	vst v63  }
0x4b: {  	s12 =	smov.u32 s11  }
0x4c: {  	p0 =	sne.s32 s11, $0x4800;
	s11 =	sadd.s32 $0x400, s11;
	_ =	swait.ge [sflag:s28], $0x4000  }
0x4d: {  	[sflag:s28] =	ssyncset.done $0x0  }
0x4e: {  	s12 =	sshra.s32 s12, $0x2;
	[sflag:s28] =	ssyncadd.s32 $0xFFFFC000  }
0x4f: {  	[spmem:s3] =	stream.indirect.scatter.add.f32 [tilespmem:s21], [sflag:$0x3], $0x80, s12, s24, $0xb8;
	[tilespmem:$0x1E800] =	vst v63  }
0x50: {  	_ =	swait.ge [sflag:s29], $0x4000  }
0x51: {  	[sflag:s29] =	ssyncset.done $0x0  }
0x52: {  	s13 =	sadd.s32 $0x1500, s12;
	[sflag:s29] =	ssyncadd.s32 $0xFFFFC000  }
0x53: {  	[tilespmem:s21], [sflag:$0x1] =	stream.indirect.gather [hbm4b:s5+s24], $0x80, s13, s24, $0xb8;
	[tilespmem:$0x1E800] =	vst v63  }
0x54: {  	_ =	swait.ge [sflag:s30], $0x4000  }
0x55: {  	[sflag:s30] =	ssyncset.done $0x0  }
.Ltmp0:
0x56: {  	s13 =	sadd.s32 $0x80, s12;
	[sflag:s30] =	ssyncadd.s32 $0xFFFFC000;
	(pc) =	sbr.rel @p0 .LBB2_2-.Ltmp0, $4  }
0x57: {  	[spmem:s3] =	stream.indirect.scatter.add.f32 [tilespmem:s26], [sflag:$0x4], $0x80, s13, s24, $0xb8;
	[tilespmem:$0x1E800] =	vst v63  }
0x58: {  	_ =	swait.ge [sflag:s31], $0x4000  }
0x59: {  	[sflag:s31] =	ssyncset.done $0x0  }
0x5a: {  	s12 =	sadd.s32 $0x1580, s12;
	[sflag:s31] =	ssyncadd.s32 $0xFFFFC000  }
0x5b: {  	[tilespmem:s26], [sflag:$0x2] =	stream.indirect.gather [hbm4b:s5+s24], $0x80, s12, s24, $0xb8;
	[tilespmem:$0x1E800] =	vst v63  }
0x5c: {  	_ =	swait.ge [sflag:s28], $0x4000  }
0x5d: {  	[sflag:s28] =	ssyncset.done $0x0  }
0x5e: {  	[sflag:s28] =	ssyncadd.s32 $0xFFFFC000  }
0x5f: {  	[spmem:s3] =	stream.indirect.scatter.add.f32 [tilespmem:s21], [sflag:$0x3], $0x80, s1, s24, $0xb8;
	[tilespmem:$0x1E800] =	vst v63  }
0x60: {  	_ =	swait.ge [sflag:s29], $0x4000  }
0x61: {  	[sflag:s29] =	ssyncset.done $0x0  }
0x62: {  	[sflag:s29] =	ssyncadd.s32 $0xFFFFC000  }
0x63: {  	_ =	swait.ge [sflag:s30], $0x4000  }
0x64: {  	[sflag:s30] =	ssyncset.done $0x0  }
0x65: {  	[sflag:s30] =	ssyncadd.s32 $0xFFFFC000  }
0x66: {  	[spmem:s3] =	stream.indirect.scatter.add.f32 [tilespmem:s26], [sflag:$0x4], $0x80, s0, s24, $0xb8;
	[tilespmem:$0x1E800] =	vst v63  }
0x67: {  	_ =	swait.ge [sflag:s31], $0x4000  }
0x68: {  	[sflag:s31] =	ssyncset.done $0x0  }
0x69: {  	s11 =	simm.s32 $0x0;
	s13 =	rddreg [dreg:$0x6];
	[sflag:s31] =	ssyncadd.s32 $0xFFFFC000  }
0x6a: {  	[tilespmem:s11], [sflag:$0x5] =	stream.linear.gather [hbm4b:s13+s11], $0x1400, $0x38;
	[tilespmem:$0x1E800] =	vst v63  }
0x6b: {  	_ =	swait.ge [sflag:s22], $0x1400  }
0x6c: {  	[sflag:s22] =	ssyncset.done $0x0  }
0x6d: {  	[sflag:s22] =	ssyncadd.s32 $0xFFFFEC00  }
0x6e: {  	[tilespmem:s23], [sflag:$0x5] =	stream.linear.gather [hbm4b:s14+s11], $0x1400, $0x38;
	[tilespmem:$0x1E800] =	vst v63  }
0x6f: {  	_ =	swait.ge [sflag:s22], $0x1400  }
0x70: {  	[sflag:s22] =	ssyncset.done $0x0  }
0x71: {  	[sflag:s22] =	ssyncadd.s32 $0xFFFFEC00  }
0x72: {  	[tilespmem:s21], [sflag:$0x1] =	stream.indirect.gather [hbm4b:s5+s24], $0x80, s23, s24, $0xb8;
	[tilespmem:$0x1E800] =	vst v63  }
0x73: {  	_ = 	snop  }
0x74: {  	[tilespmem:s26], [sflag:$0x2] =	stream.indirect.gather [hbm4b:s5+s24], $0x80, s25, s24, $0xb8;
	[tilespmem:$0x1E800] =	vst v63  }
0x75: {  	_ =	swait.ge [sflag:s28], $0x4000  }
0x76: {  	[sflag:s28] =	ssyncset.done $0x0  }
0x77: {  	s13 =	simm.s32 $0x0;
	[sflag:s28] =	ssyncadd.s32 $0xFFFFC000  }
0x78: {  	[spmem:s3] =	stream.indirect.scatter.add.f32 [tilespmem:s21], [sflag:$0x3], $0x80, s13, s24, $0xb8;
	[tilespmem:$0x1E800] =	vst v63  }
0x79: {  	_ =	swait.ge [sflag:s29], $0x4000  }
0x7a: {  	[sflag:s29] =	ssyncset.done $0x0  }
0x7b: {  	s12 =	simm.s32 $0x1500;
	[sflag:s29] =	ssyncadd.s32 $0xFFFFC000  }
0x7c: {  	[tilespmem:s21], [sflag:$0x1] =	stream.indirect.gather [hbm4b:s5+s24], $0x80, s12, s24, $0xb8;
	[tilespmem:$0x1E800] =	vst v63  }
0x7d: {  	_ =	swait.ge [sflag:s30], $0x4000  }
0x7e: {  	[sflag:s30] =	ssyncset.done $0x0  }
0x7f: {  	s13 =	simm.s32 $0x80;
	[sflag:s30] =	ssyncadd.s32 $0xFFFFC000  }
0x80: {  	[spmem:s3] =	stream.indirect.scatter.add.f32 [tilespmem:s26], [sflag:$0x4], $0x80, s13, s24, $0xb8;
	[tilespmem:$0x1E800] =	vst v63  }
0x81: {  	_ =	swait.ge [sflag:s31], $0x4000  }
0x82: {  	[sflag:s31] =	ssyncset.done $0x0  }
0x83: {  	s11 =	simm.s32 $0x400;
	s12 =	simm.s32 $0x1580;
	[sflag:s31] =	ssyncadd.s32 $0xFFFFC000  }
.LBB2_4:
0x84: {  	[tilespmem:s26], [sflag:$0x2] =	stream.indirect.gather [hbm4b:s5+s24], $0x80, s12, s24, $0xb8;
	[tilespmem:$0x1E800] =	vst v63  }
0x85: {  	s12 =	smov.u32 s11  }
0x86: {  	p0 =	sne.s32 s11, $0x4800;
	s11 =	sadd.s32 $0x400, s11;
	_ =	swait.ge [sflag:s28], $0x4000  }
0x87: {  	[sflag:s28] =	ssyncset.done $0x0  }
0x88: {  	s12 =	sshra.s32 s12, $0x2;
	[sflag:s28] =	ssyncadd.s32 $0xFFFFC000  }
0x89: {  	[spmem:s3] =	stream.indirect.scatter.add.f32 [tilespmem:s21], [sflag:$0x3], $0x80, s12, s24, $0xb8;
	[tilespmem:$0x1E800] =	vst v63  }
0x8a: {  	_ =	swait.ge [sflag:s29], $0x4000  }
0x8b: {  	[sflag:s29] =	ssyncset.done $0x0  }
0x8c: {  	s13 =	sadd.s32 $0x1500, s12;
	[sflag:s29] =	ssyncadd.s32 $0xFFFFC000  }
0x8d: {  	[tilespmem:s21], [sflag:$0x1] =	stream.indirect.gather [hbm4b:s5+s24], $0x80, s13, s24, $0xb8;
	[tilespmem:$0x1E800] =	vst v63  }
0x8e: {  	_ =	swait.ge [sflag:s30], $0x4000  }
0x8f: {  	[sflag:s30] =	ssyncset.done $0x0  }
.Ltmp1:
0x90: {  	s13 =	sadd.s32 $0x80, s12;
	[sflag:s30] =	ssyncadd.s32 $0xFFFFC000;
	(pc) =	sbr.rel @p0 .LBB2_4-.Ltmp1, $4  }
0x91: {  	[spmem:s3] =	stream.indirect.scatter.add.f32 [tilespmem:s26], [sflag:$0x4], $0x80, s13, s24, $0xb8;
	[tilespmem:$0x1E800] =	vst v63  }
0x92: {  	_ =	swait.ge [sflag:s31], $0x4000  }
0x93: {  	[sflag:s31] =	ssyncset.done $0x0  }
0x94: {  	s12 =	sadd.s32 $0x1580, s12;
	[sflag:s31] =	ssyncadd.s32 $0xFFFFC000  }
0x95: {  	[tilespmem:s26], [sflag:$0x2] =	stream.indirect.gather [hbm4b:s5+s24], $0x80, s12, s24, $0xb8;
	[tilespmem:$0x1E800] =	vst v63  }
0x96: {  	_ =	swait.ge [sflag:s28], $0x4000  }
0x97: {  	[sflag:s28] =	ssyncset.done $0x0  }
0x98: {  	[sflag:s28] =	ssyncadd.s32 $0xFFFFC000  }
0x99: {  	[spmem:s3] =	stream.indirect.scatter.add.f32 [tilespmem:s21], [sflag:$0x3], $0x80, s1, s24, $0xb8;
	[tilespmem:$0x1E800] =	vst v63  }
0x9a: {  	_ =	swait.ge [sflag:s29], $0x4000  }
0x9b: {  	[sflag:s29] =	ssyncset.done $0x0  }
0x9c: {  	[sflag:s29] =	ssyncadd.s32 $0xFFFFC000  }
0x9d: {  	_ =	swait.ge [sflag:s30], $0x4000  }
0x9e: {  	[sflag:s30] =	ssyncset.done $0x0  }
0x9f: {  	[sflag:s30] =	ssyncadd.s32 $0xFFFFC000  }
0xa0: {  	[spmem:s3] =	stream.indirect.scatter.add.f32 [tilespmem:s26], [sflag:$0x4], $0x80, s0, s24, $0xb8;
	[tilespmem:$0x1E800] =	vst v63  }
0xa1: {  	_ =	swait.ge [sflag:s31], $0x4000  }
0xa2: {  	[sflag:s31] =	ssyncset.done $0x0  }
0xa3: {  	[sflag:s31] =	ssyncadd.s32 $0xFFFFC000  }
0xa4: {  	[bflag:$0x0] =	sbarrier.arrive $0xFFFF  }
0xa5: {  	[tilespmem:s21], [sflag:$0x5] =	stream.linear.gather [spmem:s6], $0x4000, $0x38;
	[tilespmem:$0x1E800] =	vst v63  }
0xa6: {  	_ =	swait.ge [sflag:s22], $0x4000  }
0xa7: {  	[sflag:s22] =	ssyncset.done $0x0  }
0xa8: {  	[sflag:s22] =	ssyncadd.s32 $0xFFFFC000  }
0xa9: {  	[hbm4b:s15+s4] =	stream.linear.scatter [tilespmem:s21], [sflag:$0x1], $0x4000, $0x38;
	[tilespmem:$0x1E800] =	vst v63  }
0xaa: {  	_ = 	snop  }
0xab: {  	[tilespmem:s26], [sflag:$0x5] =	stream.linear.gather [spmem:s7], $0x4000, $0x38;
	[tilespmem:$0x1E800] =	vst v63  }
0xac: {  	_ =	swait.ge [sflag:s22], $0x4000  }
0xad: {  	[sflag:s22] =	ssyncset.done $0x0  }
0xae: {  	[sflag:s22] =	ssyncadd.s32 $0xFFFFC000  }
0xaf: {  	[hbm4b:s16+s4] =	stream.linear.scatter [tilespmem:s26], [sflag:$0x2], $0x4000, $0x38;
	[tilespmem:$0x1E800] =	vst v63  }
0xb0: {  	_ =	swait.ge [sflag:s28], $0x4000  }
0xb1: {  	[sflag:s28] =	ssyncset.done $0x0  }
0xb2: {  	[sflag:s28] =	ssyncadd.s32 $0xFFFFC000  }
0xb3: {  	[tilespmem:s21], [sflag:$0x5] =	stream.linear.gather [spmem:s8], $0x4000, $0x38;
	[tilespmem:$0x1E800] =	vst v63  }
0xb4: {  	_ =	swait.ge [sflag:s22], $0x4000  }
0xb5: {  	[sflag:s22] =	ssyncset.done $0x0  }
0xb6: {  	[sflag:s22] =	ssyncadd.s32 $0xFFFFC000  }
0xb7: {  	[hbm4b:s17+s4] =	stream.linear.scatter [tilespmem:s21], [sflag:$0x1], $0x4000, $0x38;
	[tilespmem:$0x1E800] =	vst v63  }
0xb8: {  	_ =	swait.ge [sflag:s30], $0x4000  }
0xb9: {  	[sflag:s30] =	ssyncset.done $0x0  }
0xba: {  	[sflag:s30] =	ssyncadd.s32 $0xFFFFC000  }
0xbb: {  	[tilespmem:s26], [sflag:$0x5] =	stream.linear.gather [spmem:s9], $0x4000, $0x38;
	[tilespmem:$0x1E800] =	vst v63  }
0xbc: {  	_ =	swait.ge [sflag:s22], $0x4000  }
0xbd: {  	[sflag:s22] =	ssyncset.done $0x0  }
0xbe: {  	[sflag:s22] =	ssyncadd.s32 $0xFFFFC000  }
0xbf: {  	[hbm4b:s18+s4] =	stream.linear.scatter [tilespmem:s26], [sflag:$0x2], $0x4000, $0x38;
	[tilespmem:$0x1E800] =	vst v63  }
0xc0: {  	_ =	swait.ge [sflag:s28], $0x4000  }
0xc1: {  	[sflag:s28] =	ssyncset.done $0x0  }
0xc2: {  	[sflag:s28] =	ssyncadd.s32 $0xFFFFC000  }
0xc3: {  	[tilespmem:s21], [sflag:$0x5] =	stream.linear.gather [spmem:s10], $0x4000, $0x38;
	[tilespmem:$0x1E800] =	vst v63  }
0xc4: {  	_ =	swait.ge [sflag:s22], $0x4000  }
0xc5: {  	[sflag:s22] =	ssyncset.done $0x0  }
0xc6: {  	s2 =	sadd.s32 $0x1, s2;
	[sflag:s22] =	ssyncadd.s32 $0xFFFFC000  }
0xc7: {  	[hbm4b:s19+s4] =	stream.linear.scatter [tilespmem:s21], [sflag:$0x1], $0x4000, $0x38;
	[tilespmem:$0x1E800] =	vst v63  }
0xc8: {  	p0 =	sne.s32 s2, s20;
	_ =	swait.ge [sflag:s30], $0x4000  }
.Ltmp2:
0xc9: {  	[sflag:s30] =	ssyncset.done $0x0;
	(pc) =	sbr.rel @p0 .LBB2_1-.Ltmp2, $4  }
0xca: {  	[sflag:s30] =	ssyncadd.s32 $0xFFFFC000  }
0xcb: {  	_ =	swait.ge [sflag:s28], $0x4000  }
0xcc: {  	[sflag:s28] =	ssyncset.done $0x0  }
0xcd: {  	[sflag:s28] =	ssyncadd.s32 $0xFFFFC000  }
0xce: {  	_ =	sfence.sel $0x180000  }
0xcf: {  	[bflag:$0x0] =	sbarrier.arrive $0xFFFF  }
0xd0: {  	_ =	strace $0x9000004A  }
0xd1: {  	s0 =	stileid.u32;
	[bflag:$0x2] =	sbarrier.arrive $0xFFFF  }
0xd2: {  	p0 =	sne.s32 s0, $0x0;
	s0 =	rddreg [dreg:$0x3]  }
0xd3: {  	s0 =	sadd.s32 @!p0 $0x100000, s0  }
0xd4: {  	[sflag:s0] =	ssyncadd.tile.s32 @!p0 $0x1;
	_ =	shalt  }
.Lfunc_end2:
_tile_overlayer_lowered:
.L_overlay_start_2:
0xd5: {  	(tag) =	ssettag $0x2  }
0xd6: {  	s0 =	rddreg [dreg:$0x0];
	s2 =	stileid.u32  }
0xd7: {  	s1 =	rddreg [dreg:$0x1];
	p0 =	sne.s32 s2, $0x0  }
0xd8: {  	s3 =	rddreg [dreg:$0x2];
	[bflag:$0x3] =	sbarrier.arrive $0xFFFF;
	s2 =	simm.s32 @!p0 $0x1C05  }
0xd9: {  	[timem:s3], [sflag:s2] =	dma.local @!p0 [hbm:s0], s1  }
0xda: {  	s0 =	simm.s32 @!p0 $0x5  }
0xdb: {  	_ =	swait.ge @!p0 [sflag:s0], s1  }
0xdc: {  	s1 =	ssub.s32 @!p0 $0x0, s1;
	[sflag:s0] =	ssyncset.done @!p0 $0x0  }
0xdd: {  	[sflag:s0] =	ssyncadd.s32 @!p0 s1  }
0xde: {  	[bflag:$0x3] =	sbarrier.arrive $0xFFFF  }
0xdf: {  	_ =	shalt  }

// kernel: kernel.7.cloned.1.call-start
scs
__scs_entry_jumppad:
0x0: {  	(pc) =	sbr.rel $0x88, $3  }
0x1: {  	(tag) =	ssettag $0x0;
	lr =	simm.s32 $0x1  }
0x2: {  	[smem:$0x3F9C] =	sst lr;
	_ =	strace $0xD0000000  }
0x3: {  	_ = 	snop  }
0x4: {  	_ = 	snop  }
0x5: {  	_ = 	snop  }
0x6: {  	_ = 	snop  }
0x7: {  	_ = 	snop  }
__scs_overlays_trampoline_lowered:
0x8: {  	[smem:$0x3FAB] =	sst s0  }
0x9: {  	[smem:$0x3FAC] =	sst s1  }
0xa: {  	[smem:$0x3FAD] =	sst s2  }
0xb: {  	[smem:$0x3FAE] =	sst s3  }
0xc: {  	[smem:$0x3FAF] =	sst s4  }
0xd: {  	[smem:$0x3FB0] =	sst s5  }
0xe: {  	[smem:$0x3FB1] =	sst s6  }
0xf: {  	[smem:$0x3FB2] =	sst s7  }
0x10: {  	[smem:$0x3FB3] =	sst s8  }
0x11: {  	[smem:$0x3FB4] =	sst s9;
	s0 =	simm.s32 @!p0 $0x0  }
0x12: {  	s1 =	sld [smem:$0x3F9A];
	s0 =	simm.s32 @p0 $0x1  }
0x13: {  	[smem:$0x3FB5] =	sst s0;
	s0 =	simm.s32 @!p1 $0x0  }
0x14: {  	s2 =	sld [smem:$0x3F99];
	s0 =	simm.s32 @p1 $0x1  }
0x15: {  	[smem:$0x3FB6] =	sst s0;
	s0 =	simm.s32 @!p2 $0x0  }
0x16: {  	s3 =	sld [smem:$0x3FDB];
	s0 =	simm.s32 @p2 $0x1  }
0x17: {  	s4 =	simm.s32 $0x1BF5;
	[smem:$0x3FB8] =	sst s0  }
0x18: {  	s0 =	sld [smem:$0x3F9B];
	_ =	swait.ge [sflag:s4], $0x0  }
0x19: {  	s7 =	sld [smem:$0x3F9C]  }
0x1a: {  	s8 =	sadd.s32 $0xFFFFE003, lr  }
0x1b: {  	s9 =	sadd.s32 $0xFFFFFEF7, lr;
	s5 =	simm.s32 $0xFFFFFFFF;
	p2 =	slt.u32 s8, $0xFFFFF086  }
0x1c: {  	p1 =	slt.u32 s9, $0xF7A;
	s5 =	simm.s32 @!p2 $0x0  }
0x1d: {  	s5 =	simm.s32 @p1 $0x1;
	p0 =	seq.s32 s7, s2  }
0x1e: {  	s7 =	smul.u32 @!p0 $0xF7A, s2;
	p2 =	seq.s32 @!p0 s5, $0x0  }
0x1f: {  	s9 =	smul.u32 $0xF7A, s1;
	s8 =	simm.s32 @!p0 $0x1BF5;
	p2 =	por !p2, p0  }
0x20: {  	[sflag:s8] =	ssyncset.s32 @!p0 $0xFFFFF086;
	s6 =	sadd.s32 @!p0 s3, s7;
	s7 =	simm.s32 @!p0 $0x108  }
0x21: {  	s3 =	sadd.s32 s3, s9;
	s6 =	sadd.s32 @!p0 $0x88, s6;
	s7 =	simm.s32 @p2 $0x1082  }
0x22: {  	[simem:s7], [sflag:s8] =	dma.local @!p0 [hbm:s6], $0xF7A  }
0x23: {  	s9 =	sor.u32 $0xD0000000, s2;
	s6 =	simm.s32 $0x108;
	_ =	swait.ge @!p0 [sflag:s8], $0x0  }
0x24: {  	s3 =	sadd.s32 $0x88, s3;
	s6 =	simm.s32 @!p1 $0x1082;
	[sflag:s4] =	ssyncset.s32 $0xFFFFF086  }
0x25: {  	[simem:s6], [sflag:s4] =	dma.local [hbm:s3], $0xF7A  }
0x26: {  	[smem:$0x3F9C] =	sst s1;
	(tag) =	ssettag s2;
	_ =	strace s9  }
0x27: {  	s1 =	sld [smem:$0x3FAC]  }
0x28: {  	s2 =	sld [smem:$0x3FAD]  }
0x29: {  	s4 =	sld [smem:$0x3FAF]  }
0x2a: {  	p0 =	seq.s32 s5, $0x0;
	s5 =	sld [smem:$0x3FB0]  }
0x2b: {  	s6 =	sld [smem:$0x3FB1]  }
0x2c: {  	s7 =	sld [smem:$0x3FB2]  }
0x2d: {  	s3 =	simm.s32 $0x108;
	s8 =	sld [smem:$0x3FB3]  }
0x2e: {  	s3 =	simm.s32 @!p0 $0x1082;
	s9 =	sld [smem:$0x3FB4]  }
0x2f: {  	lr =	sadd.s32 s0, s3;
	s0 =	sld [smem:$0x3FAB]  }
0x30: {  	s3 =	sld [smem:$0x3FAE]  }
0x31: {  	[smem:$0x3FB7] =	sst s10  }
0x32: {  	s10 =	sld [smem:$0x3FB5];
	_ =	sdelay $0x3  }
0x33: {  	p0 =	seq.s32 s10, $0x1;
	s10 =	sld [smem:$0x3FB7];
	_ =	sdelay $0x3  }
0x34: {  	[smem:$0x3FB7] =	sst s10  }
0x35: {  	s10 =	sld [smem:$0x3FB6];
	_ =	sdelay $0x3  }
0x36: {  	p1 =	seq.s32 s10, $0x1;
	s10 =	sld [smem:$0x3FB7];
	_ =	sdelay $0x3  }
0x37: {  	[smem:$0x3FB7] =	sst s10  }
0x38: {  	s10 =	sld [smem:$0x3FB8]  }
0x39: {  	_ = 	snop;
	(pc) =	sbr.ind lr, $3  }
0x3a: {  	_ = 	snop  }
0x3b: {  	_ = 	snop  }
0x3c: {  	p2 =	seq.s32 s10, $0x1;
	s10 =	sld [smem:$0x3FB7]  }
0x3d: {  	_ =	shalt  }
0x3e: {  	_ =	shalt  }
0x3f: {  	_ =	shalt  }
0x40: {  	_ =	shalt  }
0x41: {  	_ =	shalt  }
0x42: {  	_ =	shalt  }
0x43: {  	_ =	shalt  }
0x44: {  	_ =	shalt  }
0x45: {  	_ =	shalt  }
0x46: {  	_ =	shalt  }
0x47: {  	_ =	shalt  }
0x48: {  	_ =	shalt  }
0x49: {  	_ =	shalt  }
0x4a: {  	_ =	shalt  }
0x4b: {  	_ =	shalt  }
0x4c: {  	_ =	shalt  }
0x4d: {  	_ =	shalt  }
0x4e: {  	_ =	shalt  }
0x4f: {  	_ =	shalt  }
0x50: {  	_ =	shalt  }
0x51: {  	_ =	shalt  }
0x52: {  	_ =	shalt  }
0x53: {  	_ =	shalt  }
0x54: {  	_ =	shalt  }
0x55: {  	_ =	shalt  }
0x56: {  	_ =	shalt  }
0x57: {  	_ =	shalt  }
0x58: {  	_ =	shalt  }
0x59: {  	_ =	shalt  }
0x5a: {  	_ =	shalt  }
0x5b: {  	_ =	shalt  }
0x5c: {  	_ =	shalt  }
0x5d: {  	_ =	shalt  }
0x5e: {  	_ =	shalt  }
0x5f: {  	_ =	shalt  }
0x60: {  	_ =	shalt  }
0x61: {  	_ =	shalt  }
0x62: {  	_ =	shalt  }
0x63: {  	_ =	shalt  }
0x64: {  	_ =	shalt  }
0x65: {  	_ =	shalt  }
0x66: {  	_ =	shalt  }
0x67: {  	_ =	shalt  }
0x68: {  	_ =	shalt  }
0x69: {  	_ =	shalt  }
0x6a: {  	_ =	shalt  }
0x6b: {  	_ =	shalt  }
0x6c: {  	_ =	shalt  }
0x6d: {  	_ =	shalt  }
0x6e: {  	_ =	shalt  }
0x6f: {  	_ =	shalt  }
0x70: {  	_ =	shalt  }
0x71: {  	_ =	shalt  }
0x72: {  	_ =	shalt  }
0x73: {  	_ =	shalt  }
0x74: {  	_ =	shalt  }
0x75: {  	_ =	shalt  }
0x76: {  	_ =	shalt  }
0x77: {  	_ =	shalt  }
0x78: {  	_ =	shalt  }
0x79: {  	_ =	shalt  }
0x7a: {  	_ =	shalt  }
0x7b: {  	_ =	shalt  }
0x7c: {  	_ =	shalt  }
0x7d: {  	_ =	shalt  }
0x7e: {  	_ =	shalt  }
0x7f: {  	_ =	shalt  }
0x80: {  	_ =	shalt  }
0x81: {  	_ =	shalt  }
0x82: {  	_ =	shalt  }
0x83: {  	_ =	shalt  }
0x84: {  	_ =	shalt  }
0x85: {  	_ =	shalt  }
0x86: {  	_ =	shalt  }
0x87: {  	_ =	shalt  }
.Lfunc_end0:
.L_simem_size_0:
called_computation_lowered:
.L_overlay_start_0:
0x88: {  	s2 =	sld [smem:$0x3FD9]  }
0x89: {  	s3 =	sld [smem:$0x3FFE];
	_ =	sdelay $0x1  }
0x8a: {  	s1 =	srdreg.scid  }
0x8b: {  	s0 =	sand.u32 $0x1, s1  }
0x8c: {  	s17 =	sshll.u32 s0, $0xA;
	s2 =	sadd.s32 s3, s2  }
0x8d: {  	s2 =	sadd.s32 s2, s17  }
0x8e: {  	[smem:$0x3FC3] =	sst s2  }
0x8f: {  	_ = 	snop  }
0x90: {  	s2 =	sld [smem:$0x3FD0];
	(tm) =	ssettm $0x1  }
0x91: {  	s18 =	sld [smem:$0x3FFB];
	_ =	sdelay $0x3  }
0x92: {  	_ =	strace s18  }
0x93: {  	s3 =	sld [smem:$0x3FFC];
	_ =	sdelay $0x3  }
0x94: {  	_ =	strace s3  }
0x95: {  	s3 =	sld [smem:$0x3FFD];
	_ =	sdelay $0x3  }
0x96: {  	_ =	strace s3  }
0x97: {  	_ =	strace $0x8FFFFFFF  }
0x98: {  	s19 =	sld [smem:$0x3FDB];
	_ =	sdelay $0x1  }
0x99: {  	s4 =	simm.s32 $_scs_section_size  }
0x9a: {  	s5 =	simm.s32 $_size__tile_overlayer_lowered;
	s6 =	simm.s32 $_tile_overlayer_lowered  }
0x9b: {  	s22 =	simm.s32 $0x1BFF;
	s21 =	sshll.u32 s6, $0x1;
	s3 =	sadd.s32 s4, s19  }
0x9c: {  	s7 =	simm.s32 $0x0;
	s20 =	sshll.u32 s5, $0x1;
	s5 =	sadd.s32 s21, s3  }
0x9d: {  	[timem:s7], [sflag:s22] =	dma.local [hbm:s5], s20  }
0x9e: {  	_ =	swait.ge [sflag:s22], s20  }
0x9f: {  	s4 =	ssub.s32 $0x0, s20;
	[sflag:s22] =	ssyncset.done $0x0  }
0xa0: {  	[sflag:s22] =	ssyncadd.s32 s4;
	_ =	sdelay $0x1  }
0xa1: {  	s23 =	simm.s32 $0x1B8B  }
0xa2: {  	_ =	swait.ge [sflag:s23], $0x1  }
0xa3: {  	[sflag:s23] =	ssyncset.done $0x0  }
0xa4: {  	s25 =	simm.s32 $0x1B8E;
	s24 =	sld [smem:$0x3FFE];
	[sflag:s23] =	ssyncadd.s32 $0xFFFFFFFF  }
0xa5: {  	s26 =	simm.s32 $execute0_lowered;
	[smem:$0x3FD2] =	sst s25  }
0xa6: {  	s5 =	sshll.u32 s26, $0x1;
	_ =	strace $0x80000046;
	[dreg:$0x1] =	wrdreg $0xFFFFFFFF  }
0xa7: {  	s28 =	simm.s32 $_size_execute0_lowered;
	s3 =	sadd.s32 s3, s5;
	[dreg:$0x0] =	wrdreg $0x0  }
0xa8: {  	s5 =	sshll.u32 s28, $0x1;
	[dreg:$0x2] =	wrdreg s3  }
0xa9: {  	[dreg:$0x3] =	wrdreg s5  }
0xaa: {  	[dreg:$0x4] =	wrdreg $0xC0  }
0xab: {  	_ =	task [dreg:s7], $0x5FFFF  }
0xac: {  	[dreg:$0x1] =	wrdreg $0xFFFFFFFF  }
0xad: {  	[dreg:$0x0] =	wrdreg $0x60  }
0xae: {  	[dreg:$0x2] =	wrdreg s2  }
0xaf: {  	[dreg:$0x3] =	wrdreg s24  }
0xb0: {  	[dreg:$0x4] =	wrdreg $0x9  }
0xb1: {  	_ =	task.clear_ibuf [dreg:s7], $0x5FFFF;
	_ =	strace $0x90000046  }
0xb2: {  	s29 =	simm.s32 $0x9;
	_ =	strace $0x80000048  }
0xb3: {  	_ =	swait.ge [sflag:s29], $0x1  }
0xb4: {  	[sflag:s29] =	ssyncadd.s32 $0xFFFFFFFF  }
0xb5: {  	_ =	strace $0x90000048  }
0xb6: {  	_ =	sfence  }
0xb7: {  	s30 =	sld [smem:$0x0];
	_ =	sdelay $0x2  }
0xb8: {  	s31 =	sshll.u32 s1, $0xD;
	s1 =	sshrl.u32 s1, $0x2  }
0xb9: {  	s3 =	sand.u32 $0x4000, s31;
	s1 =	sadd.s32 s1, s30  }
0xba: {  	s0 =	sor.u32 s3, s0;
	s1 =	sshll.u32 s1, $0x11  }
0xbb: {  	s0 =	sor.u32 s1, s0  }
0xbc: {  	s0 =	sadd.s32 $0x8F2B, s0  }
0xbd: {  	[sflag:s0] =	ssyncadd.remote.s32 $0x1  }
0xbe: {  	_ =	sfence.sel $0xFFFF  }
0xbf: {  	[dreg:$0x0] =	wrdreg $0xFFFFFFFF;
	(pc) =	sbr.abs _section_cstart, $3  }
0xc0: {  	[dreg:$0x1] =	wrdreg $0xFFFFFFFF  }
0xc1: {  	_ =	task.clear_ibuf [dreg:s7], $0x2FFFF;
	_ =	strace $0x9FFFFFFF  }
0xc2: {  	(tm) =	ssettm $0x7FFFFFFF  }
0xc3: {  	_ =	shalt  }
tec
execute0_lowered:
.L_overlay_start_1:
0x0: {  	(tag) =	ssettag $0x1  }
0x1: {  	s1 =	srdreg.scid;
	s0 =	stileid.u32  }
0x2: {  	s3 =	rddreg [dreg:$0x0];
	s4 =	sand.u32 $0x1, s1;
	s30 =	sshll.u32 s0, $0x1  }
0x3: {  	s5 =	rddreg [dreg:$0x1];
	s6 =	sor.u32 s4, s30  }
0x4: {  	s2 =	simm.s32 $0x0;
	s4 =	ssub.s32 $0x2, s4;
	s7 =	smul.u32 $0x2710, s6  }
0x5: {  	[smem:$0x7FF] =	sst s2;
	s6 =	smul.u32 $0x500, s6;
	s8 =	sshrl.u32 s4, $0x1  }
0x6: {  	s1 =	rddreg [dreg:$0x2];
	_ =	strace $0x80000047;
	s31 =	ssub.s32 s4, s8  }
0x7: {  	s8 =	simm.s32 $0x0;
	s7 =	sshrl.u32 s7, $0x3;
	s5 =	sadd.s32 s6, s5  }
0x8: {  	s6 =	simm.s32 $0x1;
	s3 =	sadd.s32 s3, s7;
	s4 =	sadd.s32 $0x1800, s5  }
0x9: {  	v0 =	vimm.f32 $0.0e+00;
	s5 =	smax.u32 s31, $0x1;
	s7 =	simm.s32 $0x2780;
	s3 =	sadd.s32 $0x9C40, s3  }
.LBB2_1:
0xa: {  	[tilespmem:s2], [sflag:$0x1] =	stream.linear.gather [hbm4b:s3+s2], $0x2710, $0x38;
	[tilespmem:$0x4F80] =	vst v63  }
0xb: {  	_ =	swait.ge [sflag:s6], $0x2710  }
0xc: {  	[sflag:s6] =	ssyncset.done $0x0  }
0xd: {  	s9 =	simm.s32 $0x0;
	s10 =	simm.s32 $0x200;
	[sflag:s6] =	ssyncadd.s32 $0xFFFFD8F0  }
.LBB2_2:
0xe: {  	p0 =	sne.s32 s10, $0x9E00;
	[tilespmem:s9+$0x27F0] =	vst v0  }
0xf: {  	[tilespmem:s9+$0x2780] =	vst v0  }
0x10: {  	[tilespmem:s9+$0x2790] =	vst v0  }
.Ltmp0:
0x11: {  	[tilespmem:s9+$0x27A0] =	vst v0;
	(pc) =	sbr.rel @p0 .LBB2_2-.Ltmp0, $4  }
0x12: {  	[tilespmem:s9+$0x27B0] =	vst v0  }
0x13: {  	[tilespmem:s9+$0x27C0] =	vst v0  }
0x14: {  	[tilespmem:s9+$0x27D0] =	vst v0  }
0x15: {  	[tilespmem:s9+$0x27E0] =	vst v0;
	s9 =	sshra.s32 s10, $0x2;
	s10 =	sadd.s32 $0x200, s10  }
0x16: {  	[tilespmem:s9+$0x27F0] =	vst v0  }
0x17: {  	[tilespmem:s9+$0x2780] =	vst v0  }
0x18: {  	[tilespmem:s9+$0x2790] =	vst v0  }
0x19: {  	[tilespmem:s9+$0x27A0] =	vst v0  }
0x1a: {  	[tilespmem:s9+$0x27B0] =	vst v0  }
0x1b: {  	[tilespmem:s9+$0x27C0] =	vst v0  }
0x1c: {  	[tilespmem:s9+$0x27D0] =	vst v0  }
0x1d: {  	[tilespmem:s9+$0x27E0] =	vst v0;
	s10 =	simm.s32 $0x0;
	s9 =	simm.s32 $0x40  }
.LBB2_4:
0x1e: {  	p0 =	sne.s32 s9, $0x9C00;
	v1 =	vld [tilespmem:s10+$0x0];
	_ =	sdelay $0x4  }
0x1f: {  	(xrf1) =	vunique.msk.u32 $0xffff, v1;
	_ =	sdelay $0xd  }
0x20: {  	_, v2, vm0 =	vpop (xrf1);
	_ =	sdelay $0x1  }
.Ltmp1:
0x21: {  	(pc) =	sbr.rel @p0 .LBB2_4-.Ltmp1, $3  }
0x22: {  	_ = 	snop  }
0x23: {  	v2 =	vcvt.s32.f32 v2;
	_ =	sdelay $0x1  }
0x24: {  	s10 =	sshra.s32 s9, $0x2;
	s9 =	sadd.s32 $0x40, s9;
	[tilespmem:v1+s7+$0x0] =	vst.idx.add.f32.msk vm0, v2  }
0x25: {  	v1 =	vld [tilespmem:s10+$0x0];
	_ =	sdelay $0x4  }
0x26: {  	(xrf1) =	vunique.msk.u32 $0xffff, v1;
	_ =	sdelay $0xd  }
0x27: {  	_, v2, vm0 =	vpop (xrf1);
	_ =	sdelay $0x3  }
0x28: {  	s8 =	sadd.s32 $0x1, s8;
	v2 =	vcvt.s32.f32 v2  }
0x29: {  	p0 =	sne.s32 s8, s5  }
.Ltmp2:
0x2a: {  	[tilespmem:v1+s7+$0x0] =	vst.idx.add.f32.msk vm0, v2;
	(pc) =	sbr.rel @p0 .LBB2_1-.Ltmp2, $4  }
0x2b: {  	[hbm4b:s4+s2] =	stream.linear.scatter [tilespmem:s7], [sflag:$0x1], $0x2800, $0x38;
	[tilespmem:$0x4F80] =	vst v63  }
0x2c: {  	_ =	swait.ge [sflag:s6], $0x2800  }
0x2d: {  	[sflag:s6] =	ssyncset.done $0x0  }
0x2e: {  	[sflag:s6] =	ssyncadd.s32 $0xFFFFD800  }
0x2f: {  	_ =	sfence.sel $0x180000  }
0x30: {  	[bflag:$0x0] =	sbarrier.arrive $0xFFFF  }
0x31: {  	p0 =	sne.s32 s0, $0x0;
	_ =	strace $0x90000047  }
0x32: {  	s0 =	sadd.s32 @!p0 $0x100000, s1;
	[bflag:$0x2] =	sbarrier.arrive $0xFFFF  }
0x33: {  	[sflag:s0] =	ssyncadd.tile.s32 @!p0 $0x1;
	_ =	shalt  }
.Lfunc_end2:
_tile_overlayer_lowered:
.L_overlay_start_2:
0x34: {  	(tag) =	ssettag $0x2  }
0x35: {  	s0 =	rddreg [dreg:$0x0];
	s2 =	stileid.u32  }
0x36: {  	s1 =	rddreg [dreg:$0x1];
	p0 =	sne.s32 s2, $0x0  }
0x37: {  	s3 =	rddreg [dreg:$0x2];
	[bflag:$0x3] =	sbarrier.arrive $0xFFFF;
	s2 =	simm.s32 @!p0 $0x1C01  }
0x38: {  	[timem:s3], [sflag:s2] =	dma.local @!p0 [hbm:s0], s1  }
0x39: {  	s0 =	simm.s32 @!p0 $0x1  }
0x3a: {  	_ =	swait.ge @!p0 [sflag:s0], s1  }
0x3b: {  	s1 =	ssub.s32 @!p0 $0x0, s1;
	[sflag:s0] =	ssyncset.done @!p0 $0x0  }
0x3c: {  	[sflag:s0] =	ssyncadd.s32 @!p0 s1  }
0x3d: {  	[bflag:$0x3] =	sbarrier.arrive $0xFFFF  }
0x3e: {  	_ =	shalt  }

</sc_bundles>
